<compile_context>
chip_gen: v7x
topology: tpu7x:2x2x1
jax: 0.10.2.dev20260603
libtpu: 0.0.44.dev20260713+nightly
codegen_flags: <defaults>
</compile_context>

<pallas_src>
import functools

import jax
import jax.numpy as jnp
from jax import lax
from jax.experimental import pallas as pl
from jax.experimental.pallas import tpu as pltpu
from jax.experimental.pallas import tpu_sc as plsc

_N, _E, _D, _DE, _H = 10000, 320000, 128, 16, 16

_NC, _NS = 2, 16
_NW = _NC * _NS
_CH = 1280
_NCHUNK = _E // _CH
_TMAX = -(-_NCHUNK // _NW)
_SUB = 128
_NSUB = _CH // _SUB
_NRING = 8


_BN = 2000


def _ab_body(x_ref, wa_ref, wb_ref, a_ref, b_ref):
    x = x_ref[...]
    a_ref[...] = jnp.dot(x, wa_ref[...], preferred_element_type=jnp.float32)
    b_ref[...] = jnp.dot(x, wb_ref[...], preferred_element_type=jnp.float32)


_ab_call = pl.pallas_call(
    _ab_body,
    grid=(_N // _BN,),
    in_specs=[
        pl.BlockSpec((_BN, _D), lambda i: (i, 0)),
        pl.BlockSpec((_D, _H), lambda i: (0, 0)),
        pl.BlockSpec((_D, _H), lambda i: (0, 0)),
    ],
    out_specs=[
        pl.BlockSpec((_BN, _H), lambda i: (i, 0)),
        pl.BlockSpec((_BN, _H), lambda i: (i, 0)),
    ],
    out_shape=[
        jax.ShapeDtypeStruct((_N, _H), jnp.float32),
        jax.ShapeDtypeStruct((_N, _H), jnp.float32),
    ],
)


_BC = 4000


def _tail_body(ef_ref, s_ref, w_ref, b_ref, w2_ref, b2_ref, r_ref):
    z = (
        jnp.dot(ef_ref[...], w_ref[...], preferred_element_type=jnp.float32)
        + b_ref[...]
        + s_ref[...]
    )
    h = jnp.maximum(z, z * 0.01)
    r = (
        jnp.dot(h, w2_ref[...], preferred_element_type=jnp.float32)
        + b2_ref[...]
    )
    r_ref[...] = jnp.maximum(r, r * 0.01)


_tail_call = pl.pallas_call(
    _tail_body,
    grid=(_E // 8 // _BC,),
    in_specs=[
        pl.BlockSpec((_BC, 128), lambda i: (i, 0)),
        pl.BlockSpec((_BC, 128), lambda i: (i, 0)),
        pl.BlockSpec((128, 128), lambda i: (0, 0)),
        pl.BlockSpec((1, 128), lambda i: (0, 0)),
        pl.BlockSpec((128, 8), lambda i: (0, 0)),
        pl.BlockSpec((1, 8), lambda i: (0, 0)),
    ],
    out_specs=pl.BlockSpec((_BC, 8), lambda i: (i, 0)),
    out_shape=jax.ShapeDtypeStruct((_E // 8, 8), jnp.float32),
)

_mesh = plsc.VectorSubcoreMesh(
    core_axis_name="core", subcore_axis_name="subcore",
    num_cores=_NC, num_subcores=_NS,
)


def _ei_body(ei_ref, og_ref, dg_ref):
    z = ei_ref[...]
    og_ref[...] = z[0, :]
    dg_ref[...] = z[1, :]


_ei_call = pl.pallas_call(
    _ei_body,
    out_shape=[
        jax.ShapeDtypeStruct((_E,), jnp.int32),
        jax.ShapeDtypeStruct((_E,), jnp.int32),
    ],
)

_sc_params = pltpu.CompilerParams(
    needs_layout_passes=False, use_tc_tiling_on_sc=False)


@functools.partial(
    pl.kernel,
    out_type=jax.ShapeDtypeStruct((_E, _H), jnp.float32),
    mesh=_mesh,
    compiler_params=_sc_params,
    scratch_types=(
        [
            pltpu.VMEM((_CH,), jnp.int32),
            pltpu.VMEM((_CH,), jnp.int32),
        ]
        + [pltpu.VMEM((_SUB, _H), jnp.float32)] * _NRING
        + [pltpu.SemaphoreType.DMA] * 12
    ),
)
def _sc_gather(a_hbm, b_hbm, og_hbm, dg_hbm, s_hbm, io_v, id_v, *rest):
    gbufs = list(rest[:_NRING])
    sems_a = list(rest[_NRING:_NRING + 4])
    sems_b = list(rest[_NRING + 4:_NRING + 8])
    sems_o = list(rest[_NRING + 8:_NRING + 12])
    wid = lax.axis_index("subcore") * _NC + lax.axis_index("core")

    def chunk_body(t, carry):
        ci = jnp.minimum(t * _NW + wid, _NCHUNK - 1)
        cbase = pl.multiple_of(ci * _CH, _CH)
        pltpu.sync_copy(og_hbm.at[pl.ds(cbase, _CH)], io_v)
        pltpu.sync_copy(dg_hbm.at[pl.ds(cbase, _CH)], id_v)

        desc_a, desc_b, desc_o = {}, {}, {}

        def fire_a(s):
            if 0 <= s < _NSUB:
                if s - _NRING >= 0:
                    desc_o.pop(s - _NRING).wait()
                desc_a[s] = pltpu.async_copy(
                    a_hbm.at[io_v.at[pl.ds(s * _SUB, _SUB)]],
                    gbufs[s % _NRING], sems_a[s % 4])

        def advance_b(s):
            if 0 <= s < _NSUB:
                desc_a.pop(s).wait()
                desc_b[s] = pltpu.async_copy(
                    b_hbm.at[id_v.at[pl.ds(s * _SUB, _SUB)]],
                    gbufs[s % _NRING], sems_b[s % 4], add=True)

        def advance_o(s):
            if 0 <= s < _NSUB:
                desc_b.pop(s).wait()
                desc_o[s] = pltpu.async_copy(
                    gbufs[s % _NRING],
                    s_hbm.at[pl.ds(cbase + s * _SUB, _SUB)], sems_o[s % 4])

        for s in range(4):
            fire_a(s)
        for s in range(_NSUB):
            advance_b(s)
            fire_a(s + 4)
            advance_o(s - 2)
        advance_o(_NSUB - 2)
        advance_o(_NSUB - 1)
        for s in sorted(desc_o):
            desc_o.pop(s).wait()

        return carry

    lax.fori_loop(0, _TMAX, chunk_body, 0)


def kernel(x, edge_index, edge_features, W1, b1, W2, b2):
    wa = W1[:_D]
    wb = W1[_D:2 * _D]
    we = W1[2 * _D:]
    a, b = _ab_call(x, wa, wb)
    ef_q = edge_features.reshape(_E // 8, 8 * _DE)
    we_blk = jnp.kron(jnp.eye(8, dtype=jnp.float32), we)
    w2_blk = jnp.kron(jnp.eye(8, dtype=jnp.float32), W2)
    og, dg = _ei_call(edge_index)
    s = _sc_gather(a, b, og, dg)
    res8 = _tail_call(ef_q, s.reshape(_E // 8, 128), we_blk,
                      jnp.tile(b1, 8).reshape(1, 128), w2_blk,
                      jnp.broadcast_to(b2, (1, 8)))
    return res8.reshape(_E)

# --- scband reference (transcript-rebuilt; emitter-appended) ---
"""Pipeline reference for scband-gnn-23656679867725 (READ-ONLY COPY).

The authoritative reference and input builder live on the scoring server;
editing this copy changes nothing except your own understanding.
"""

import jax, jax.numpy as jnp
import numpy as np

N, E, D, DE, H = 10000, 320000, 128, 16, 16
IN_DIM = 2 * D + DE


def setup_inputs(seed: int = 0) -> dict:
    key = jax.random.key(seed)
    ks = jax.random.split(key, 8)
    x = jax.random.normal(ks[0], (N, D), dtype=jnp.float32)
    edge_index = jax.random.randint(ks[1], (2, E), 0, N, dtype=jnp.int32)
    edge_features = jax.random.normal(ks[2], (E, DE), dtype=jnp.float32)
    W1 = jax.random.normal(ks[3], (IN_DIM, H), dtype=jnp.float32) * (1.0 / np.sqrt(IN_DIM))
    b1 = jnp.zeros((H,), dtype=jnp.float32)
    W2 = jax.random.normal(ks[4], (H, 1), dtype=jnp.float32) * (1.0 / np.sqrt(H))
    b2 = jnp.zeros((1,), dtype=jnp.float32)
    return {"x": x, "edge_index": edge_index, "edge_features": edge_features,
            "W1": W1, "b1": b1, "W2": W2, "b2": b2}


def reference(x, edge_index, edge_features, W1, b1, W2, b2):
    origin = edge_index[0]
    destination = edge_index[1]
    z = jnp.concatenate([jnp.take(x, origin, axis=0),
                         jnp.take(x, destination, axis=0),
                         edge_features], axis=1)
    z = z @ W1 + b1
    z = jax.nn.leaky_relu(z, negative_slope=0.01)
    z = z @ W2 + b2
    z = jax.nn.leaky_relu(z, negative_slope=0.01)
    return z.reshape(-1)

if __name__ == "__main__":
    import jax
    _d = setup_inputs()
    print(jax.jit(kernel)(*tuple(_d.values())))

</pallas_src>

<mosaic_0001>
#map = affine_map<(d0, d1) -> (0, 0)>
#map1 = affine_map<(d0, d1) -> (0)>
module attributes {stable_mosaic.version = 14 : i64} {
  func.func @_sc_gather(%arg0: i32, %arg1: i32, %arg2: memref<10000x16xf32, #tpu.memory_space<hbm>>, %arg3: memref<10000x16xf32, #tpu.memory_space<hbm>>, %arg4: memref<320000xi32, #tpu.memory_space<hbm>>, %arg5: memref<320000xi32, #tpu.memory_space<hbm>>, %arg6: memref<320000x16xf32, #tpu.memory_space<hbm>>, %arg7: memref<1280xi32, #tpu.memory_space<vmem>>, %arg8: memref<1280xi32, #tpu.memory_space<vmem>>, %arg9: memref<128x16xf32, #tpu.memory_space<vmem>>, %arg10: memref<128x16xf32, #tpu.memory_space<vmem>>, %arg11: memref<128x16xf32, #tpu.memory_space<vmem>>, %arg12: memref<128x16xf32, #tpu.memory_space<vmem>>, %arg13: memref<128x16xf32, #tpu.memory_space<vmem>>, %arg14: memref<128x16xf32, #tpu.memory_space<vmem>>, %arg15: memref<128x16xf32, #tpu.memory_space<vmem>>, %arg16: memref<128x16xf32, #tpu.memory_space<vmem>>, %arg17: memref<!tpu.dma_semaphore, #tpu.memory_space<semaphore_mem>>, %arg18: memref<!tpu.dma_semaphore, #tpu.memory_space<semaphore_mem>>, %arg19: memref<!tpu.dma_semaphore, #tpu.memory_space<semaphore_mem>>, %arg20: memref<!tpu.dma_semaphore, #tpu.memory_space<semaphore_mem>>, %arg21: memref<!tpu.dma_semaphore, #tpu.memory_space<semaphore_mem>>, %arg22: memref<!tpu.dma_semaphore, #tpu.memory_space<semaphore_mem>>, %arg23: memref<!tpu.dma_semaphore, #tpu.memory_space<semaphore_mem>>, %arg24: memref<!tpu.dma_semaphore, #tpu.memory_space<semaphore_mem>>, %arg25: memref<!tpu.dma_semaphore, #tpu.memory_space<semaphore_mem>>, %arg26: memref<!tpu.dma_semaphore, #tpu.memory_space<semaphore_mem>>, %arg27: memref<!tpu.dma_semaphore, #tpu.memory_space<semaphore_mem>>, %arg28: memref<!tpu.dma_semaphore, #tpu.memory_space<semaphore_mem>>) attributes {dimension_semantics = [#tpu.dimension_semantics<core_parallel>, #tpu.dimension_semantics<subcore_parallel>], iteration_bounds = array<i64: 2, 16>, scalar_prefetch = 0 : i64, scratch_operands = 22 : i64, tpu.core_type = #tpu.core_type<sc_vector_subcore>, window_params = [{transform_indices = #map}, {transform_indices = #map}, {transform_indices = #map1}, {transform_indices = #map1}, {transform_indices = #map}]} {
    %mul3A = arith.constant 2 : i32
    %mul3A_0 = arith.muli %arg1, %mul3A : i32
    %add3A = arith.addi %mul3A_0, %arg0 : i32
    %scan3A = arith.constant 0 : i32
    %scan3A_1 = arith.constant 0 : i32
    %scan3A_2 = arith.constant 8 : i32
    %scan3A_3 = arith.addi %scan3A_1, %scan3A_2 : i32
    %scan3A_4 = arith.constant 1 : i32
    scf.for %scan3A_6 = %scan3A_1 to %scan3A_3 step %scan3A_4  : i32 {
      %mul3A_7 = arith.constant 32 : i32
      %mul3A_8 = arith.muli %scan3A_6, %mul3A_7 : i32
      %add3A_9 = arith.addi %mul3A_8, %add3A : i32
      %min3A = arith.constant 249 : i32
      %min3A_10 = arith.minsi %add3A_9, %min3A : i32
      %mul3A_11 = arith.constant 1280 : i32
      %mul3A_12 = arith.muli %min3A_10, %mul3A_11 : i32
      %multiple_of3A = tpu.assume_multiple %mul3A_12, 1280 : i32
      "tpu.region"() ({
        %run_scoped3A = tpu.sem_alloc : memref<!tpu.dma_semaphore, #tpu.memory_space<semaphore_mem>>
        %dma_start3A_311 = tpu.memref_slice %arg4[%multiple_of3A] : memref<320000xi32, #tpu.memory_space<hbm>> -> memref<1280xi32, #tpu.memory_space<hbm>>
        %dma_start3A_312 = tpu.memref_slice %arg4[%multiple_of3A] : memref<320000xi32, #tpu.memory_space<hbm>> -> memref<1280xi32, #tpu.memory_space<hbm>>
        tpu.enqueue_dma source(%dma_start3A_312 : memref<1280xi32, #tpu.memory_space<hbm>>) target(%arg7 : memref<1280xi32, #tpu.memory_space<vmem>>) target_semaphore(%run_scoped3A : memref<!tpu.dma_semaphore, #tpu.memory_space<semaphore_mem>>)
        %dma_wait3A_313 = tpu.memref_slice %arg4[%multiple_of3A] : memref<320000xi32, #tpu.memory_space<hbm>> -> memref<1280xi32, #tpu.memory_space<hbm>>
        %dma_wait3A_314 = tpu.memref_slice %arg4[%multiple_of3A] : memref<320000xi32, #tpu.memory_space<hbm>> -> memref<1280xi32, #tpu.memory_space<hbm>>
        tpu.wait_dma2 semaphore(%run_scoped3A : memref<!tpu.dma_semaphore, #tpu.memory_space<semaphore_mem>>) src(%dma_wait3A_314 : memref<1280xi32, #tpu.memory_space<hbm>>) dst(%arg7 : memref<1280xi32, #tpu.memory_space<vmem>>)
        tpu.yield
      }) : () -> ()
      "tpu.region"() ({
        %run_scoped3A = tpu.sem_alloc : memref<!tpu.dma_semaphore, #tpu.memory_space<semaphore_mem>>
        %dma_start3A_311 = tpu.memref_slice %arg5[%multiple_of3A] : memref<320000xi32, #tpu.memory_space<hbm>> -> memref<1280xi32, #tpu.memory_space<hbm>>
        %dma_start3A_312 = tpu.memref_slice %arg5[%multiple_of3A] : memref<320000xi32, #tpu.memory_space<hbm>> -> memref<1280xi32, #tpu.memory_space<hbm>>
        tpu.enqueue_dma source(%dma_start3A_312 : memref<1280xi32, #tpu.memory_space<hbm>>) target(%arg8 : memref<1280xi32, #tpu.memory_space<vmem>>) target_semaphore(%run_scoped3A : memref<!tpu.dma_semaphore, #tpu.memory_space<semaphore_mem>>)
        %dma_wait3A_313 = tpu.memref_slice %arg5[%multiple_of3A] : memref<320000xi32, #tpu.memory_space<hbm>> -> memref<1280xi32, #tpu.memory_space<hbm>>
        %dma_wait3A_314 = tpu.memref_slice %arg5[%multiple_of3A] : memref<320000xi32, #tpu.memory_space<hbm>> -> memref<1280xi32, #tpu.memory_space<hbm>>
        tpu.wait_dma2 semaphore(%run_scoped3A : memref<!tpu.dma_semaphore, #tpu.memory_space<semaphore_mem>>) src(%dma_wait3A_314 : memref<1280xi32, #tpu.memory_space<hbm>>) dst(%arg8 : memref<1280xi32, #tpu.memory_space<vmem>>)
        tpu.yield
      }) : () -> ()
      %dma_start3A = arith.constant 0 : i32
      %dma_start3A_13 = tpu.memref_slice %arg7[%dma_start3A] : memref<1280xi32, #tpu.memory_space<vmem>> -> memref<128xi32, #tpu.memory_space<vmem>>
      %dma_start3A_14 = arith.constant 0 : i32
      %dma_start3A_15 = arith.constant 0 : i32
      %dma_start3A_16 = tpu.memref_slice %arg2[%dma_start3A_14, %dma_start3A_15] : memref<10000x16xf32, #tpu.memory_space<hbm>> -> memref<10000x16xf32, #tpu.memory_space<hbm>>
      tpu.enqueue_indirect_dma source(%dma_start3A_16 : memref<10000x16xf32, #tpu.memory_space<hbm>>) target(%arg9 : memref<128x16xf32, #tpu.memory_space<vmem>>) offsets(%dma_start3A_13 : memref<128xi32, #tpu.memory_space<vmem>>) semaphore(%arg17 : memref<!tpu.dma_semaphore, #tpu.memory_space<semaphore_mem>>)
      %dma_start3A_17 = arith.constant 128 : i32
      %dma_start3A_18 = tpu.memref_slice %arg7[%dma_start3A_17] : memref<1280xi32, #tpu.memory_space<vmem>> -> memref<128xi32, #tpu.memory_space<vmem>>
      %dma_start3A_19 = arith.constant 0 : i32
      %dma_start3A_20 = arith.constant 0 : i32
      %dma_start3A_21 = tpu.memref_slice %arg2[%dma_start3A_19, %dma_start3A_20] : memref<10000x16xf32, #tpu.memory_space<hbm>> -> memref<10000x16xf32, #tpu.memory_space<hbm>>
      tpu.enqueue_indirect_dma source(%dma_start3A_21 : memref<10000x16xf32, #tpu.memory_space<hbm>>) target(%arg10 : memref<128x16xf32, #tpu.memory_space<vmem>>) offsets(%dma_start3A_18 : memref<128xi32, #tpu.memory_space<vmem>>) semaphore(%arg18 : memref<!tpu.dma_semaphore, #tpu.memory_space<semaphore_mem>>)
      %dma_start3A_22 = arith.constant 256 : i32
      %dma_start3A_23 = tpu.memref_slice %arg7[%dma_start3A_22] : memref<1280xi32, #tpu.memory_space<vmem>> -> memref<128xi32, #tpu.memory_space<vmem>>
      %dma_start3A_24 = arith.constant 0 : i32
      %dma_start3A_25 = arith.constant 0 : i32
      %dma_start3A_26 = tpu.memref_slice %arg2[%dma_start3A_24, %dma_start3A_25] : memref<10000x16xf32, #tpu.memory_space<hbm>> -> memref<10000x16xf32, #tpu.memory_space<hbm>>
      tpu.enqueue_indirect_dma source(%dma_start3A_26 : memref<10000x16xf32, #tpu.memory_space<hbm>>) target(%arg11 : memref<128x16xf32, #tpu.memory_space<vmem>>) offsets(%dma_start3A_23 : memref<128xi32, #tpu.memory_space<vmem>>) semaphore(%arg19 : memref<!tpu.dma_semaphore, #tpu.memory_space<semaphore_mem>>)
      %dma_start3A_27 = arith.constant 384 : i32
      %dma_start3A_28 = tpu.memref_slice %arg7[%dma_start3A_27] : memref<1280xi32, #tpu.memory_space<vmem>> -> memref<128xi32, #tpu.memory_space<vmem>>
      %dma_start3A_29 = arith.constant 0 : i32
      %dma_start3A_30 = arith.constant 0 : i32
      %dma_start3A_31 = tpu.memref_slice %arg2[%dma_start3A_29, %dma_start3A_30] : memref<10000x16xf32, #tpu.memory_space<hbm>> -> memref<10000x16xf32, #tpu.memory_space<hbm>>
      tpu.enqueue_indirect_dma source(%dma_start3A_31 : memref<10000x16xf32, #tpu.memory_space<hbm>>) target(%arg12 : memref<128x16xf32, #tpu.memory_space<vmem>>) offsets(%dma_start3A_28 : memref<128xi32, #tpu.memory_space<vmem>>) semaphore(%arg20 : memref<!tpu.dma_semaphore, #tpu.memory_space<semaphore_mem>>)
      %dma_wait3A = arith.constant 0 : i32
      %dma_wait3A_32 = tpu.memref_slice %arg7[%dma_wait3A] : memref<1280xi32, #tpu.memory_space<vmem>> -> memref<128xi32, #tpu.memory_space<vmem>>
      %dma_wait3A_33 = arith.constant 0 : i32
      %dma_wait3A_34 = arith.constant 0 : i32
      %dma_wait3A_35 = tpu.memref_slice %arg2[%dma_wait3A_33, %dma_wait3A_34] : memref<10000x16xf32, #tpu.memory_space<hbm>> -> memref<10000x16xf32, #tpu.memory_space<hbm>>
      tpu.wait_indirect_dma semaphore(%arg17 : memref<!tpu.dma_semaphore, #tpu.memory_space<semaphore_mem>>) src(%dma_wait3A_35 : memref<10000x16xf32, #tpu.memory_space<hbm>>) dst(%arg9 : memref<128x16xf32, #tpu.memory_space<vmem>>)
      %dma_start3A_36 = arith.constant 0 : i32
      %dma_start3A_37 = tpu.memref_slice %arg8[%dma_start3A_36] : memref<1280xi32, #tpu.memory_space<vmem>> -> memref<128xi32, #tpu.memory_space<vmem>>
      %dma_start3A_38 = arith.constant 0 : i32
      %dma_start3A_39 = arith.constant 0 : i32
      %dma_start3A_40 = tpu.memref_slice %arg3[%dma_start3A_38, %dma_start3A_39] : memref<10000x16xf32, #tpu.memory_space<hbm>> -> memref<10000x16xf32, #tpu.memory_space<hbm>>
      tpu.enqueue_indirect_dma source(%dma_start3A_40 : memref<10000x16xf32, #tpu.memory_space<hbm>>) target(%arg9 : memref<128x16xf32, #tpu.memory_space<vmem>>) offsets(%dma_start3A_37 : memref<128xi32, #tpu.memory_space<vmem>>) semaphore(%arg21 : memref<!tpu.dma_semaphore, #tpu.memory_space<semaphore_mem>>) {add = true}
      %dma_start3A_41 = arith.constant 512 : i32
      %dma_start3A_42 = tpu.memref_slice %arg7[%dma_start3A_41] : memref<1280xi32, #tpu.memory_space<vmem>> -> memref<128xi32, #tpu.memory_space<vmem>>
      %dma_start3A_43 = arith.constant 0 : i32
      %dma_start3A_44 = arith.constant 0 : i32
      %dma_start3A_45 = tpu.memref_slice %arg2[%dma_start3A_43, %dma_start3A_44] : memref<10000x16xf32, #tpu.memory_space<hbm>> -> memref<10000x16xf32, #tpu.memory_space<hbm>>
      tpu.enqueue_indirect_dma source(%dma_start3A_45 : memref<10000x16xf32, #tpu.memory_space<hbm>>) target(%arg13 : memref<128x16xf32, #tpu.memory_space<vmem>>) offsets(%dma_start3A_42 : memref<128xi32, #tpu.memory_space<vmem>>) semaphore(%arg17 : memref<!tpu.dma_semaphore, #tpu.memory_space<semaphore_mem>>)
      %dma_wait3A_46 = arith.constant 128 : i32
      %dma_wait3A_47 = tpu.memref_slice %arg7[%dma_wait3A_46] : memref<1280xi32, #tpu.memory_space<vmem>> -> memref<128xi32, #tpu.memory_space<vmem>>
      %dma_wait3A_48 = arith.constant 0 : i32
      %dma_wait3A_49 = arith.constant 0 : i32
      %dma_wait3A_50 = tpu.memref_slice %arg2[%dma_wait3A_48, %dma_wait3A_49] : memref<10000x16xf32, #tpu.memory_space<hbm>> -> memref<10000x16xf32, #tpu.memory_space<hbm>>
      tpu.wait_indirect_dma semaphore(%arg18 : memref<!tpu.dma_semaphore, #tpu.memory_space<semaphore_mem>>) src(%dma_wait3A_50 : memref<10000x16xf32, #tpu.memory_space<hbm>>) dst(%arg10 : memref<128x16xf32, #tpu.memory_space<vmem>>)
      %dma_start3A_51 = arith.constant 128 : i32
      %dma_start3A_52 = tpu.memref_slice %arg8[%dma_start3A_51] : memref<1280xi32, #tpu.memory_space<vmem>> -> memref<128xi32, #tpu.memory_space<vmem>>
      %dma_start3A_53 = arith.constant 0 : i32
      %dma_start3A_54 = arith.constant 0 : i32
      %dma_start3A_55 = tpu.memref_slice %arg3[%dma_start3A_53, %dma_start3A_54] : memref<10000x16xf32, #tpu.memory_space<hbm>> -> memref<10000x16xf32, #tpu.memory_space<hbm>>
      tpu.enqueue_indirect_dma source(%dma_start3A_55 : memref<10000x16xf32, #tpu.memory_space<hbm>>) target(%arg10 : memref<128x16xf32, #tpu.memory_space<vmem>>) offsets(%dma_start3A_52 : memref<128xi32, #tpu.memory_space<vmem>>) semaphore(%arg22 : memref<!tpu.dma_semaphore, #tpu.memory_space<semaphore_mem>>) {add = true}
      %dma_start3A_56 = arith.constant 640 : i32
      %dma_start3A_57 = tpu.memref_slice %arg7[%dma_start3A_56] : memref<1280xi32, #tpu.memory_space<vmem>> -> memref<128xi32, #tpu.memory_space<vmem>>
      %dma_start3A_58 = arith.constant 0 : i32
      %dma_start3A_59 = arith.constant 0 : i32
      %dma_start3A_60 = tpu.memref_slice %arg2[%dma_start3A_58, %dma_start3A_59] : memref<10000x16xf32, #tpu.memory_space<hbm>> -> memref<10000x16xf32, #tpu.memory_space<hbm>>
      tpu.enqueue_indirect_dma source(%dma_start3A_60 : memref<10000x16xf32, #tpu.memory_space<hbm>>) target(%arg14 : memref<128x16xf32, #tpu.memory_space<vmem>>) offsets(%dma_start3A_57 : memref<128xi32, #tpu.memory_space<vmem>>) semaphore(%arg18 : memref<!tpu.dma_semaphore, #tpu.memory_space<semaphore_mem>>)
      %dma_wait3A_61 = arith.constant 256 : i32
      %dma_wait3A_62 = tpu.memref_slice %arg7[%dma_wait3A_61] : memref<1280xi32, #tpu.memory_space<vmem>> -> memref<128xi32, #tpu.memory_space<vmem>>
      %dma_wait3A_63 = arith.constant 0 : i32
      %dma_wait3A_64 = arith.constant 0 : i32
      %dma_wait3A_65 = tpu.memref_slice %arg2[%dma_wait3A_63, %dma_wait3A_64] : memref<10000x16xf32, #tpu.memory_space<hbm>> -> memref<10000x16xf32, #tpu.memory_space<hbm>>
      tpu.wait_indirect_dma semaphore(%arg19 : memref<!tpu.dma_semaphore, #tpu.memory_space<semaphore_mem>>) src(%dma_wait3A_65 : memref<10000x16xf32, #tpu.memory_space<hbm>>) dst(%arg11 : memref<128x16xf32, #tpu.memory_space<vmem>>)
      %dma_start3A_66 = arith.constant 256 : i32
      %dma_start3A_67 = tpu.memref_slice %arg8[%dma_start3A_66] : memref<1280xi32, #tpu.memory_space<vmem>> -> memref<128xi32, #tpu.memory_space<vmem>>
      %dma_start3A_68 = arith.constant 0 : i32
      %dma_start3A_69 = arith.constant 0 : i32
      %dma_start3A_70 = tpu.memref_slice %arg3[%dma_start3A_68, %dma_start3A_69] : memref<10000x16xf32, #tpu.memory_space<hbm>> -> memref<10000x16xf32, #tpu.memory_space<hbm>>
      tpu.enqueue_indirect_dma source(%dma_start3A_70 : memref<10000x16xf32, #tpu.memory_space<hbm>>) target(%arg11 : memref<128x16xf32, #tpu.memory_space<vmem>>) offsets(%dma_start3A_67 : memref<128xi32, #tpu.memory_space<vmem>>) semaphore(%arg23 : memref<!tpu.dma_semaphore, #tpu.memory_space<semaphore_mem>>) {add = true}
      %dma_start3A_71 = arith.constant 768 : i32
      %dma_start3A_72 = tpu.memref_slice %arg7[%dma_start3A_71] : memref<1280xi32, #tpu.memory_space<vmem>> -> memref<128xi32, #tpu.memory_space<vmem>>
      %dma_start3A_73 = arith.constant 0 : i32
      %dma_start3A_74 = arith.constant 0 : i32
      %dma_start3A_75 = tpu.memref_slice %arg2[%dma_start3A_73, %dma_start3A_74] : memref<10000x16xf32, #tpu.memory_space<hbm>> -> memref<10000x16xf32, #tpu.memory_space<hbm>>
      tpu.enqueue_indirect_dma source(%dma_start3A_75 : memref<10000x16xf32, #tpu.memory_space<hbm>>) target(%arg15 : memref<128x16xf32, #tpu.memory_space<vmem>>) offsets(%dma_start3A_72 : memref<128xi32, #tpu.memory_space<vmem>>) semaphore(%arg19 : memref<!tpu.dma_semaphore, #tpu.memory_space<semaphore_mem>>)
      %dma_wait3A_76 = arith.constant 0 : i32
      %dma_wait3A_77 = tpu.memref_slice %arg8[%dma_wait3A_76] : memref<1280xi32, #tpu.memory_space<vmem>> -> memref<128xi32, #tpu.memory_space<vmem>>
      %dma_wait3A_78 = arith.constant 0 : i32
      %dma_wait3A_79 = arith.constant 0 : i32
      %dma_wait3A_80 = tpu.memref_slice %arg3[%dma_wait3A_78, %dma_wait3A_79] : memref<10000x16xf32, #tpu.memory_space<hbm>> -> memref<10000x16xf32, #tpu.memory_space<hbm>>
      tpu.wait_indirect_dma semaphore(%arg21 : memref<!tpu.dma_semaphore, #tpu.memory_space<semaphore_mem>>) src(%dma_wait3A_80 : memref<10000x16xf32, #tpu.memory_space<hbm>>) dst(%arg9 : memref<128x16xf32, #tpu.memory_space<vmem>>)
      %add3A_81 = arith.constant 0 : i32
      %add3A_82 = arith.addi %multiple_of3A, %add3A_81 : i32
      %dma_start3A_83 = arith.constant 0 : i32
      %dma_start3A_84 = tpu.memref_slice %arg6[%add3A_82, %dma_start3A_83] : memref<320000x16xf32, #tpu.memory_space<hbm>> -> memref<128x16xf32, #tpu.memory_space<hbm>>
      %dma_start3A_85 = arith.constant 0 : i32
      %dma_start3A_86 = tpu.memref_slice %arg6[%add3A_82, %dma_start3A_85] : memref<320000x16xf32, #tpu.memory_space<hbm>> -> memref<128x16xf32, #tpu.memory_space<hbm>>
      tpu.enqueue_dma source(%arg9 : memref<128x16xf32, #tpu.memory_space<vmem>>) target(%dma_start3A_86 : memref<128x16xf32, #tpu.memory_space<hbm>>) target_semaphore(%arg25 : memref<!tpu.dma_semaphore, #tpu.memory_space<semaphore_mem>>)
      %dma_wait3A_87 = arith.constant 384 : i32
      %dma_wait3A_88 = tpu.memref_slice %arg7[%dma_wait3A_87] : memref<1280xi32, #tpu.memory_space<vmem>> -> memref<128xi32, #tpu.memory_space<vmem>>
      %dma_wait3A_89 = arith.constant 0 : i32
      %dma_wait3A_90 = arith.constant 0 : i32
      %dma_wait3A_91 = tpu.memref_slice %arg2[%dma_wait3A_89, %dma_wait3A_90] : memref<10000x16xf32, #tpu.memory_space<hbm>> -> memref<10000x16xf32, #tpu.memory_space<hbm>>
      tpu.wait_indirect_dma semaphore(%arg20 : memref<!tpu.dma_semaphore, #tpu.memory_space<semaphore_mem>>) src(%dma_wait3A_91 : memref<10000x16xf32, #tpu.memory_space<hbm>>) dst(%arg12 : memref<128x16xf32, #tpu.memory_space<vmem>>)
      %dma_start3A_92 = arith.constant 384 : i32
      %dma_start3A_93 = tpu.memref_slice %arg8[%dma_start3A_92] : memref<1280xi32, #tpu.memory_space<vmem>> -> memref<128xi32, #tpu.memory_space<vmem>>
      %dma_start3A_94 = arith.constant 0 : i32
      %dma_start3A_95 = arith.constant 0 : i32
      %dma_start3A_96 = tpu.memref_slice %arg3[%dma_start3A_94, %dma_start3A_95] : memref<10000x16xf32, #tpu.memory_space<hbm>> -> memref<10000x16xf32, #tpu.memory_space<hbm>>
      tpu.enqueue_indirect_dma source(%dma_start3A_96 : memref<10000x16xf32, #tpu.memory_space<hbm>>) target(%arg12 : memref<128x16xf32, #tpu.memory_space<vmem>>) offsets(%dma_start3A_93 : memref<128xi32, #tpu.memory_space<vmem>>) semaphore(%arg24 : memref<!tpu.dma_semaphore, #tpu.memory_space<semaphore_mem>>) {add = true}
      %dma_start3A_97 = arith.constant 896 : i32
      %dma_start3A_98 = tpu.memref_slice %arg7[%dma_start3A_97] : memref<1280xi32, #tpu.memory_space<vmem>> -> memref<128xi32, #tpu.memory_space<vmem>>
      %dma_start3A_99 = arith.constant 0 : i32
      %dma_start3A_100 = arith.constant 0 : i32
      %dma_start3A_101 = tpu.memref_slice %arg2[%dma_start3A_99, %dma_start3A_100] : memref<10000x16xf32, #tpu.memory_space<hbm>> -> memref<10000x16xf32, #tpu.memory_space<hbm>>
      tpu.enqueue_indirect_dma source(%dma_start3A_101 : memref<10000x16xf32, #tpu.memory_space<hbm>>) target(%arg16 : memref<128x16xf32, #tpu.memory_space<vmem>>) offsets(%dma_start3A_98 : memref<128xi32, #tpu.memory_space<vmem>>) semaphore(%arg20 : memref<!tpu.dma_semaphore, #tpu.memory_space<semaphore_mem>>)
      %dma_wait3A_102 = arith.constant 128 : i32
      %dma_wait3A_103 = tpu.memref_slice %arg8[%dma_wait3A_102] : memref<1280xi32, #tpu.memory_space<vmem>> -> memref<128xi32, #tpu.memory_space<vmem>>
      %dma_wait3A_104 = arith.constant 0 : i32
      %dma_wait3A_105 = arith.constant 0 : i32
      %dma_wait3A_106 = tpu.memref_slice %arg3[%dma_wait3A_104, %dma_wait3A_105] : memref<10000x16xf32, #tpu.memory_space<hbm>> -> memref<10000x16xf32, #tpu.memory_space<hbm>>
      tpu.wait_indirect_dma semaphore(%arg22 : memref<!tpu.dma_semaphore, #tpu.memory_space<semaphore_mem>>) src(%dma_wait3A_106 : memref<10000x16xf32, #tpu.memory_space<hbm>>) dst(%arg10 : memref<128x16xf32, #tpu.memory_space<vmem>>)
      %add3A_107 = arith.constant 128 : i32
      %add3A_108 = arith.addi %multiple_of3A, %add3A_107 : i32
      %dma_start3A_109 = arith.constant 0 : i32
      %dma_start3A_110 = tpu.memref_slice %arg6[%add3A_108, %dma_start3A_109] : memref<320000x16xf32, #tpu.memory_space<hbm>> -> memref<128x16xf32, #tpu.memory_space<hbm>>
      %dma_start3A_111 = arith.constant 0 : i32
      %dma_start3A_112 = tpu.memref_slice %arg6[%add3A_108, %dma_start3A_111] : memref<320000x16xf32, #tpu.memory_space<hbm>> -> memref<128x16xf32, #tpu.memory_space<hbm>>
      tpu.enqueue_dma source(%arg10 : memref<128x16xf32, #tpu.memory_space<vmem>>) target(%dma_start3A_112 : memref<128x16xf32, #tpu.memory_space<hbm>>) target_semaphore(%arg26 : memref<!tpu.dma_semaphore, #tpu.memory_space<semaphore_mem>>)
      %dma_wait3A_113 = arith.constant 512 : i32
      %dma_wait3A_114 = tpu.memref_slice %arg7[%dma_wait3A_113] : memref<1280xi32, #tpu.memory_space<vmem>> -> memref<128xi32, #tpu.memory_space<vmem>>
      %dma_wait3A_115 = arith.constant 0 : i32
      %dma_wait3A_116 = arith.constant 0 : i32
      %dma_wait3A_117 = tpu.memref_slice %arg2[%dma_wait3A_115, %dma_wait3A_116] : memref<10000x16xf32, #tpu.memory_space<hbm>> -> memref<10000x16xf32, #tpu.memory_space<hbm>>
      tpu.wait_indirect_dma semaphore(%arg17 : memref<!tpu.dma_semaphore, #tpu.memory_space<semaphore_mem>>) src(%dma_wait3A_117 : memref<10000x16xf32, #tpu.memory_space<hbm>>) dst(%arg13 : memref<128x16xf32, #tpu.memory_space<vmem>>)
      %dma_start3A_118 = arith.constant 512 : i32
      %dma_start3A_119 = tpu.memref_slice %arg8[%dma_start3A_118] : memref<1280xi32, #tpu.memory_space<vmem>> -> memref<128xi32, #tpu.memory_space<vmem>>
      %dma_start3A_120 = arith.constant 0 : i32
      %dma_start3A_121 = arith.constant 0 : i32
      %dma_start3A_122 = tpu.memref_slice %arg3[%dma_start3A_120, %dma_start3A_121] : memref<10000x16xf32, #tpu.memory_space<hbm>> -> memref<10000x16xf32, #tpu.memory_space<hbm>>
      tpu.enqueue_indirect_dma source(%dma_start3A_122 : memref<10000x16xf32, #tpu.memory_space<hbm>>) target(%arg13 : memref<128x16xf32, #tpu.memory_space<vmem>>) offsets(%dma_start3A_119 : memref<128xi32, #tpu.memory_space<vmem>>) semaphore(%arg21 : memref<!tpu.dma_semaphore, #tpu.memory_space<semaphore_mem>>) {add = true}
      %dma_wait3A_123 = arith.constant 0 : i32
      %dma_wait3A_124 = tpu.memref_slice %arg6[%add3A_82, %dma_wait3A_123] : memref<320000x16xf32, #tpu.memory_space<hbm>> -> memref<128x16xf32, #tpu.memory_space<hbm>>
      %dma_wait3A_125 = arith.constant 0 : i32
      %dma_wait3A_126 = tpu.memref_slice %arg6[%add3A_82, %dma_wait3A_125] : memref<320000x16xf32, #tpu.memory_space<hbm>> -> memref<128x16xf32, #tpu.memory_space<hbm>>
      tpu.wait_dma2 semaphore(%arg25 : memref<!tpu.dma_semaphore, #tpu.memory_space<semaphore_mem>>) src(%arg9 : memref<128x16xf32, #tpu.memory_space<vmem>>) dst(%dma_wait3A_126 : memref<128x16xf32, #tpu.memory_space<hbm>>)
      %dma_start3A_127 = arith.constant 1024 : i32
      %dma_start3A_128 = tpu.memref_slice %arg7[%dma_start3A_127] : memref<1280xi32, #tpu.memory_space<vmem>> -> memref<128xi32, #tpu.memory_space<vmem>>
      %dma_start3A_129 = arith.constant 0 : i32
      %dma_start3A_130 = arith.constant 0 : i32
      %dma_start3A_131 = tpu.memref_slice %arg2[%dma_start3A_129, %dma_start3A_130] : memref<10000x16xf32, #tpu.memory_space<hbm>> -> memref<10000x16xf32, #tpu.memory_space<hbm>>
      tpu.enqueue_indirect_dma source(%dma_start3A_131 : memref<10000x16xf32, #tpu.memory_space<hbm>>) target(%arg9 : memref<128x16xf32, #tpu.memory_space<vmem>>) offsets(%dma_start3A_128 : memref<128xi32, #tpu.memory_space<vmem>>) semaphore(%arg17 : memref<!tpu.dma_semaphore, #tpu.memory_space<semaphore_mem>>)
      %dma_wait3A_132 = arith.constant 256 : i32
      %dma_wait3A_133 = tpu.memref_slice %arg8[%dma_wait3A_132] : memref<1280xi32, #tpu.memory_space<vmem>> -> memref<128xi32, #tpu.memory_space<vmem>>
      %dma_wait3A_134 = arith.constant 0 : i32
      %dma_wait3A_135 = arith.constant 0 : i32
      %dma_wait3A_136 = tpu.memref_slice %arg3[%dma_wait3A_134, %dma_wait3A_135] : memref<10000x16xf32, #tpu.memory_space<hbm>> -> memref<10000x16xf32, #tpu.memory_space<hbm>>
      tpu.wait_indirect_dma semaphore(%arg23 : memref<!tpu.dma_semaphore, #tpu.memory_space<semaphore_mem>>) src(%dma_wait3A_136 : memref<10000x16xf32, #tpu.memory_space<hbm>>) dst(%arg11 : memref<128x16xf32, #tpu.memory_space<vmem>>)
      %add3A_137 = arith.constant 256 : i32
      %add3A_138 = arith.addi %multiple_of3A, %add3A_137 : i32
      %dma_start3A_139 = arith.constant 0 : i32
      %dma_start3A_140 = tpu.memref_slice %arg6[%add3A_138, %dma_start3A_139] : memref<320000x16xf32, #tpu.memory_space<hbm>> -> memref<128x16xf32, #tpu.memory_space<hbm>>
      %dma_start3A_141 = arith.constant 0 : i32
      %dma_start3A_142 = tpu.memref_slice %arg6[%add3A_138, %dma_start3A_141] : memref<320000x16xf32, #tpu.memory_space<hbm>> -> memref<128x16xf32, #tpu.memory_space<hbm>>
      tpu.enqueue_dma source(%arg11 : memref<128x16xf32, #tpu.memory_space<vmem>>) target(%dma_start3A_142 : memref<128x16xf32, #tpu.memory_space<hbm>>) target_semaphore(%arg27 : memref<!tpu.dma_semaphore, #tpu.memory_space<semaphore_mem>>)
      %dma_wait3A_143 = arith.constant 640 : i32
      %dma_wait3A_144 = tpu.memref_slice %arg7[%dma_wait3A_143] : memref<1280xi32, #tpu.memory_space<vmem>> -> memref<128xi32, #tpu.memory_space<vmem>>
      %dma_wait3A_145 = arith.constant 0 : i32
      %dma_wait3A_146 = arith.constant 0 : i32
      %dma_wait3A_147 = tpu.memref_slice %arg2[%dma_wait3A_145, %dma_wait3A_146] : memref<10000x16xf32, #tpu.memory_space<hbm>> -> memref<10000x16xf32, #tpu.memory_space<hbm>>
      tpu.wait_indirect_dma semaphore(%arg18 : memref<!tpu.dma_semaphore, #tpu.memory_space<semaphore_mem>>) src(%dma_wait3A_147 : memref<10000x16xf32, #tpu.memory_space<hbm>>) dst(%arg14 : memref<128x16xf32, #tpu.memory_space<vmem>>)
      %dma_start3A_148 = arith.constant 640 : i32
      %dma_start3A_149 = tpu.memref_slice %arg8[%dma_start3A_148] : memref<1280xi32, #tpu.memory_space<vmem>> -> memref<128xi32, #tpu.memory_space<vmem>>
      %dma_start3A_150 = arith.constant 0 : i32
      %dma_start3A_151 = arith.constant 0 : i32
      %dma_start3A_152 = tpu.memref_slice %arg3[%dma_start3A_150, %dma_start3A_151] : memref<10000x16xf32, #tpu.memory_space<hbm>> -> memref<10000x16xf32, #tpu.memory_space<hbm>>
      tpu.enqueue_indirect_dma source(%dma_start3A_152 : memref<10000x16xf32, #tpu.memory_space<hbm>>) target(%arg14 : memref<128x16xf32, #tpu.memory_space<vmem>>) offsets(%dma_start3A_149 : memref<128xi32, #tpu.memory_space<vmem>>) semaphore(%arg22 : memref<!tpu.dma_semaphore, #tpu.memory_space<semaphore_mem>>) {add = true}
      %dma_wait3A_153 = arith.constant 0 : i32
      %dma_wait3A_154 = tpu.memref_slice %arg6[%add3A_108, %dma_wait3A_153] : memref<320000x16xf32, #tpu.memory_space<hbm>> -> memref<128x16xf32, #tpu.memory_space<hbm>>
      %dma_wait3A_155 = arith.constant 0 : i32
      %dma_wait3A_156 = tpu.memref_slice %arg6[%add3A_108, %dma_wait3A_155] : memref<320000x16xf32, #tpu.memory_space<hbm>> -> memref<128x16xf32, #tpu.memory_space<hbm>>
      tpu.wait_dma2 semaphore(%arg26 : memref<!tpu.dma_semaphore, #tpu.memory_space<semaphore_mem>>) src(%arg10 : memref<128x16xf32, #tpu.memory_space<vmem>>) dst(%dma_wait3A_156 : memref<128x16xf32, #tpu.memory_space<hbm>>)
      %dma_start3A_157 = arith.constant 1152 : i32
      %dma_start3A_158 = tpu.memref_slice %arg7[%dma_start3A_157] : memref<1280xi32, #tpu.memory_space<vmem>> -> memref<128xi32, #tpu.memory_space<vmem>>
      %dma_start3A_159 = arith.constant 0 : i32
      %dma_start3A_160 = arith.constant 0 : i32
      %dma_start3A_161 = tpu.memref_slice %arg2[%dma_start3A_159, %dma_start3A_160] : memref<10000x16xf32, #tpu.memory_space<hbm>> -> memref<10000x16xf32, #tpu.memory_space<hbm>>
      tpu.enqueue_indirect_dma source(%dma_start3A_161 : memref<10000x16xf32, #tpu.memory_space<hbm>>) target(%arg10 : memref<128x16xf32, #tpu.memory_space<vmem>>) offsets(%dma_start3A_158 : memref<128xi32, #tpu.memory_space<vmem>>) semaphore(%arg18 : memref<!tpu.dma_semaphore, #tpu.memory_space<semaphore_mem>>)
      %dma_wait3A_162 = arith.constant 384 : i32
      %dma_wait3A_163 = tpu.memref_slice %arg8[%dma_wait3A_162] : memref<1280xi32, #tpu.memory_space<vmem>> -> memref<128xi32, #tpu.memory_space<vmem>>
      %dma_wait3A_164 = arith.constant 0 : i32
      %dma_wait3A_165 = arith.constant 0 : i32
      %dma_wait3A_166 = tpu.memref_slice %arg3[%dma_wait3A_164, %dma_wait3A_165] : memref<10000x16xf32, #tpu.memory_space<hbm>> -> memref<10000x16xf32, #tpu.memory_space<hbm>>
      tpu.wait_indirect_dma semaphore(%arg24 : memref<!tpu.dma_semaphore, #tpu.memory_space<semaphore_mem>>) src(%dma_wait3A_166 : memref<10000x16xf32, #tpu.memory_space<hbm>>) dst(%arg12 : memref<128x16xf32, #tpu.memory_space<vmem>>)
      %add3A_167 = arith.constant 384 : i32
      %add3A_168 = arith.addi %multiple_of3A, %add3A_167 : i32
      %dma_start3A_169 = arith.constant 0 : i32
      %dma_start3A_170 = tpu.memref_slice %arg6[%add3A_168, %dma_start3A_169] : memref<320000x16xf32, #tpu.memory_space<hbm>> -> memref<128x16xf32, #tpu.memory_space<hbm>>
      %dma_start3A_171 = arith.constant 0 : i32
      %dma_start3A_172 = tpu.memref_slice %arg6[%add3A_168, %dma_start3A_171] : memref<320000x16xf32, #tpu.memory_space<hbm>> -> memref<128x16xf32, #tpu.memory_space<hbm>>
      tpu.enqueue_dma source(%arg12 : memref<128x16xf32, #tpu.memory_space<vmem>>) target(%dma_start3A_172 : memref<128x16xf32, #tpu.memory_space<hbm>>) target_semaphore(%arg28 : memref<!tpu.dma_semaphore, #tpu.memory_space<semaphore_mem>>)
      %dma_wait3A_173 = arith.constant 768 : i32
      %dma_wait3A_174 = tpu.memref_slice %arg7[%dma_wait3A_173] : memref<1280xi32, #tpu.memory_space<vmem>> -> memref<128xi32, #tpu.memory_space<vmem>>
      %dma_wait3A_175 = arith.constant 0 : i32
      %dma_wait3A_176 = arith.constant 0 : i32
      %dma_wait3A_177 = tpu.memref_slice %arg2[%dma_wait3A_175, %dma_wait3A_176] : memref<10000x16xf32, #tpu.memory_space<hbm>> -> memref<10000x16xf32, #tpu.memory_space<hbm>>
      tpu.wait_indirect_dma semaphore(%arg19 : memref<!tpu.dma_semaphore, #tpu.memory_space<semaphore_mem>>) src(%dma_wait3A_177 : memref<10000x16xf32, #tpu.memory_space<hbm>>) dst(%arg15 : memref<128x16xf32, #tpu.memory_space<vmem>>)
      %dma_start3A_178 = arith.constant 768 : i32
      %dma_start3A_179 = tpu.memref_slice %arg8[%dma_start3A_178] : memref<1280xi32, #tpu.memory_space<vmem>> -> memref<128xi32, #tpu.memory_space<vmem>>
      %dma_start3A_180 = arith.constant 0 : i32
      %dma_start3A_181 = arith.constant 0 : i32
      %dma_start3A_182 = tpu.memref_slice %arg3[%dma_start3A_180, %dma_start3A_181] : memref<10000x16xf32, #tpu.memory_space<hbm>> -> memref<10000x16xf32, #tpu.memory_space<hbm>>
      tpu.enqueue_indirect_dma source(%dma_start3A_182 : memref<10000x16xf32, #tpu.memory_space<hbm>>) target(%arg15 : memref<128x16xf32, #tpu.memory_space<vmem>>) offsets(%dma_start3A_179 : memref<128xi32, #tpu.memory_space<vmem>>) semaphore(%arg23 : memref<!tpu.dma_semaphore, #tpu.memory_space<semaphore_mem>>) {add = true}
      %dma_wait3A_183 = arith.constant 512 : i32
      %dma_wait3A_184 = tpu.memref_slice %arg8[%dma_wait3A_183] : memref<1280xi32, #tpu.memory_space<vmem>> -> memref<128xi32, #tpu.memory_space<vmem>>
      %dma_wait3A_185 = arith.constant 0 : i32
      %dma_wait3A_186 = arith.constant 0 : i32
      %dma_wait3A_187 = tpu.memref_slice %arg3[%dma_wait3A_185, %dma_wait3A_186] : memref<10000x16xf32, #tpu.memory_space<hbm>> -> memref<10000x16xf32, #tpu.memory_space<hbm>>
      tpu.wait_indirect_dma semaphore(%arg21 : memref<!tpu.dma_semaphore, #tpu.memory_space<semaphore_mem>>) src(%dma_wait3A_187 : memref<10000x16xf32, #tpu.memory_space<hbm>>) dst(%arg13 : memref<128x16xf32, #tpu.memory_space<vmem>>)
      %add3A_188 = arith.constant 512 : i32
      %add3A_189 = arith.addi %multiple_of3A, %add3A_188 : i32
      %dma_start3A_190 = arith.constant 0 : i32
      %dma_start3A_191 = tpu.memref_slice %arg6[%add3A_189, %dma_start3A_190] : memref<320000x16xf32, #tpu.memory_space<hbm>> -> memref<128x16xf32, #tpu.memory_space<hbm>>
      %dma_start3A_192 = arith.constant 0 : i32
      %dma_start3A_193 = tpu.memref_slice %arg6[%add3A_189, %dma_start3A_192] : memref<320000x16xf32, #tpu.memory_space<hbm>> -> memref<128x16xf32, #tpu.memory_space<hbm>>
      tpu.enqueue_dma source(%arg13 : memref<128x16xf32, #tpu.memory_space<vmem>>) target(%dma_start3A_193 : memref<128x16xf32, #tpu.memory_space<hbm>>) target_semaphore(%arg25 : memref<!tpu.dma_semaphore, #tpu.memory_space<semaphore_mem>>)
      %dma_wait3A_194 = arith.constant 896 : i32
      %dma_wait3A_195 = tpu.memref_slice %arg7[%dma_wait3A_194] : memref<1280xi32, #tpu.memory_space<vmem>> -> memref<128xi32, #tpu.memory_space<vmem>>
      %dma_wait3A_196 = arith.constant 0 : i32
      %dma_wait3A_197 = arith.constant 0 : i32
      %dma_wait3A_198 = tpu.memref_slice %arg2[%dma_wait3A_196, %dma_wait3A_197] : memref<10000x16xf32, #tpu.memory_space<hbm>> -> memref<10000x16xf32, #tpu.memory_space<hbm>>
      tpu.wait_indirect_dma semaphore(%arg20 : memref<!tpu.dma_semaphore, #tpu.memory_space<semaphore_mem>>) src(%dma_wait3A_198 : memref<10000x16xf32, #tpu.memory_space<hbm>>) dst(%arg16 : memref<128x16xf32, #tpu.memory_space<vmem>>)
      %dma_start3A_199 = arith.constant 896 : i32
      %dma_start3A_200 = tpu.memref_slice %arg8[%dma_start3A_199] : memref<1280xi32, #tpu.memory_space<vmem>> -> memref<128xi32, #tpu.memory_space<vmem>>
      %dma_start3A_201 = arith.constant 0 : i32
      %dma_start3A_202 = arith.constant 0 : i32
      %dma_start3A_203 = tpu.memref_slice %arg3[%dma_start3A_201, %dma_start3A_202] : memref<10000x16xf32, #tpu.memory_space<hbm>> -> memref<10000x16xf32, #tpu.memory_space<hbm>>
      tpu.enqueue_indirect_dma source(%dma_start3A_203 : memref<10000x16xf32, #tpu.memory_space<hbm>>) target(%arg16 : memref<128x16xf32, #tpu.memory_space<vmem>>) offsets(%dma_start3A_200 : memref<128xi32, #tpu.memory_space<vmem>>) semaphore(%arg24 : memref<!tpu.dma_semaphore, #tpu.memory_space<semaphore_mem>>) {add = true}
      %dma_wait3A_204 = arith.constant 640 : i32
      %dma_wait3A_205 = tpu.memref_slice %arg8[%dma_wait3A_204] : memref<1280xi32, #tpu.memory_space<vmem>> -> memref<128xi32, #tpu.memory_space<vmem>>
      %dma_wait3A_206 = arith.constant 0 : i32
      %dma_wait3A_207 = arith.constant 0 : i32
      %dma_wait3A_208 = tpu.memref_slice %arg3[%dma_wait3A_206, %dma_wait3A_207] : memref<10000x16xf32, #tpu.memory_space<hbm>> -> memref<10000x16xf32, #tpu.memory_space<hbm>>
      tpu.wait_indirect_dma semaphore(%arg22 : memref<!tpu.dma_semaphore, #tpu.memory_space<semaphore_mem>>) src(%dma_wait3A_208 : memref<10000x16xf32, #tpu.memory_space<hbm>>) dst(%arg14 : memref<128x16xf32, #tpu.memory_space<vmem>>)
      %add3A_209 = arith.constant 640 : i32
      %add3A_210 = arith.addi %multiple_of3A, %add3A_209 : i32
      %dma_start3A_211 = arith.constant 0 : i32
      %dma_start3A_212 = tpu.memref_slice %arg6[%add3A_210, %dma_start3A_211] : memref<320000x16xf32, #tpu.memory_space<hbm>> -> memref<128x16xf32, #tpu.memory_space<hbm>>
      %dma_start3A_213 = arith.constant 0 : i32
      %dma_start3A_214 = tpu.memref_slice %arg6[%add3A_210, %dma_start3A_213] : memref<320000x16xf32, #tpu.memory_space<hbm>> -> memref<128x16xf32, #tpu.memory_space<hbm>>
      tpu.enqueue_dma source(%arg14 : memref<128x16xf32, #tpu.memory_space<vmem>>) target(%dma_start3A_214 : memref<128x16xf32, #tpu.memory_space<hbm>>) target_semaphore(%arg26 : memref<!tpu.dma_semaphore, #tpu.memory_space<semaphore_mem>>)
      %dma_wait3A_215 = arith.constant 1024 : i32
      %dma_wait3A_216 = tpu.memref_slice %arg7[%dma_wait3A_215] : memref<1280xi32, #tpu.memory_space<vmem>> -> memref<128xi32, #tpu.memory_space<vmem>>
      %dma_wait3A_217 = arith.constant 0 : i32
      %dma_wait3A_218 = arith.constant 0 : i32
      %dma_wait3A_219 = tpu.memref_slice %arg2[%dma_wait3A_217, %dma_wait3A_218] : memref<10000x16xf32, #tpu.memory_space<hbm>> -> memref<10000x16xf32, #tpu.memory_space<hbm>>
      tpu.wait_indirect_dma semaphore(%arg17 : memref<!tpu.dma_semaphore, #tpu.memory_space<semaphore_mem>>) src(%dma_wait3A_219 : memref<10000x16xf32, #tpu.memory_space<hbm>>) dst(%arg9 : memref<128x16xf32, #tpu.memory_space<vmem>>)
      %dma_start3A_220 = arith.constant 1024 : i32
      %dma_start3A_221 = tpu.memref_slice %arg8[%dma_start3A_220] : memref<1280xi32, #tpu.memory_space<vmem>> -> memref<128xi32, #tpu.memory_space<vmem>>
      %dma_start3A_222 = arith.constant 0 : i32
      %dma_start3A_223 = arith.constant 0 : i32
      %dma_start3A_224 = tpu.memref_slice %arg3[%dma_start3A_222, %dma_start3A_223] : memref<10000x16xf32, #tpu.memory_space<hbm>> -> memref<10000x16xf32, #tpu.memory_space<hbm>>
      tpu.enqueue_indirect_dma source(%dma_start3A_224 : memref<10000x16xf32, #tpu.memory_space<hbm>>) target(%arg9 : memref<128x16xf32, #tpu.memory_space<vmem>>) offsets(%dma_start3A_221 : memref<128xi32, #tpu.memory_space<vmem>>) semaphore(%arg21 : memref<!tpu.dma_semaphore, #tpu.memory_space<semaphore_mem>>) {add = true}
      %dma_wait3A_225 = arith.constant 768 : i32
      %dma_wait3A_226 = tpu.memref_slice %arg8[%dma_wait3A_225] : memref<1280xi32, #tpu.memory_space<vmem>> -> memref<128xi32, #tpu.memory_space<vmem>>
      %dma_wait3A_227 = arith.constant 0 : i32
      %dma_wait3A_228 = arith.constant 0 : i32
      %dma_wait3A_229 = tpu.memref_slice %arg3[%dma_wait3A_227, %dma_wait3A_228] : memref<10000x16xf32, #tpu.memory_space<hbm>> -> memref<10000x16xf32, #tpu.memory_space<hbm>>
      tpu.wait_indirect_dma semaphore(%arg23 : memref<!tpu.dma_semaphore, #tpu.memory_space<semaphore_mem>>) src(%dma_wait3A_229 : memref<10000x16xf32, #tpu.memory_space<hbm>>) dst(%arg15 : memref<128x16xf32, #tpu.memory_space<vmem>>)
      %add3A_230 = arith.constant 768 : i32
      %add3A_231 = arith.addi %multiple_of3A, %add3A_230 : i32
      %dma_start3A_232 = arith.constant 0 : i32
      %dma_start3A_233 = tpu.memref_slice %arg6[%add3A_231, %dma_start3A_232] : memref<320000x16xf32, #tpu.memory_space<hbm>> -> memref<128x16xf32, #tpu.memory_space<hbm>>
      %dma_start3A_234 = arith.constant 0 : i32
      %dma_start3A_235 = tpu.memref_slice %arg6[%add3A_231, %dma_start3A_234] : memref<320000x16xf32, #tpu.memory_space<hbm>> -> memref<128x16xf32, #tpu.memory_space<hbm>>
      tpu.enqueue_dma source(%arg15 : memref<128x16xf32, #tpu.memory_space<vmem>>) target(%dma_start3A_235 : memref<128x16xf32, #tpu.memory_space<hbm>>) target_semaphore(%arg27 : memref<!tpu.dma_semaphore, #tpu.memory_space<semaphore_mem>>)
      %dma_wait3A_236 = arith.constant 1152 : i32
      %dma_wait3A_237 = tpu.memref_slice %arg7[%dma_wait3A_236] : memref<1280xi32, #tpu.memory_space<vmem>> -> memref<128xi32, #tpu.memory_space<vmem>>
      %dma_wait3A_238 = arith.constant 0 : i32
      %dma_wait3A_239 = arith.constant 0 : i32
      %dma_wait3A_240 = tpu.memref_slice %arg2[%dma_wait3A_238, %dma_wait3A_239] : memref<10000x16xf32, #tpu.memory_space<hbm>> -> memref<10000x16xf32, #tpu.memory_space<hbm>>
      tpu.wait_indirect_dma semaphore(%arg18 : memref<!tpu.dma_semaphore, #tpu.memory_space<semaphore_mem>>) src(%dma_wait3A_240 : memref<10000x16xf32, #tpu.memory_space<hbm>>) dst(%arg10 : memref<128x16xf32, #tpu.memory_space<vmem>>)
      %dma_start3A_241 = arith.constant 1152 : i32
      %dma_start3A_242 = tpu.memref_slice %arg8[%dma_start3A_241] : memref<1280xi32, #tpu.memory_space<vmem>> -> memref<128xi32, #tpu.memory_space<vmem>>
      %dma_start3A_243 = arith.constant 0 : i32
      %dma_start3A_244 = arith.constant 0 : i32
      %dma_start3A_245 = tpu.memref_slice %arg3[%dma_start3A_243, %dma_start3A_244] : memref<10000x16xf32, #tpu.memory_space<hbm>> -> memref<10000x16xf32, #tpu.memory_space<hbm>>
      tpu.enqueue_indirect_dma source(%dma_start3A_245 : memref<10000x16xf32, #tpu.memory_space<hbm>>) target(%arg10 : memref<128x16xf32, #tpu.memory_space<vmem>>) offsets(%dma_start3A_242 : memref<128xi32, #tpu.memory_space<vmem>>) semaphore(%arg22 : memref<!tpu.dma_semaphore, #tpu.memory_space<semaphore_mem>>) {add = true}
      %dma_wait3A_246 = arith.constant 896 : i32
      %dma_wait3A_247 = tpu.memref_slice %arg8[%dma_wait3A_246] : memref<1280xi32, #tpu.memory_space<vmem>> -> memref<128xi32, #tpu.memory_space<vmem>>
      %dma_wait3A_248 = arith.constant 0 : i32
      %dma_wait3A_249 = arith.constant 0 : i32
      %dma_wait3A_250 = tpu.memref_slice %arg3[%dma_wait3A_248, %dma_wait3A_249] : memref<10000x16xf32, #tpu.memory_space<hbm>> -> memref<10000x16xf32, #tpu.memory_space<hbm>>
      tpu.wait_indirect_dma semaphore(%arg24 : memref<!tpu.dma_semaphore, #tpu.memory_space<semaphore_mem>>) src(%dma_wait3A_250 : memref<10000x16xf32, #tpu.memory_space<hbm>>) dst(%arg16 : memref<128x16xf32, #tpu.memory_space<vmem>>)
      %add3A_251 = arith.constant 896 : i32
      %add3A_252 = arith.addi %multiple_of3A, %add3A_251 : i32
      %dma_start3A_253 = arith.constant 0 : i32
      %dma_start3A_254 = tpu.memref_slice %arg6[%add3A_252, %dma_start3A_253] : memref<320000x16xf32, #tpu.memory_space<hbm>> -> memref<128x16xf32, #tpu.memory_space<hbm>>
      %dma_start3A_255 = arith.constant 0 : i32
      %dma_start3A_256 = tpu.memref_slice %arg6[%add3A_252, %dma_start3A_255] : memref<320000x16xf32, #tpu.memory_space<hbm>> -> memref<128x16xf32, #tpu.memory_space<hbm>>
      tpu.enqueue_dma source(%arg16 : memref<128x16xf32, #tpu.memory_space<vmem>>) target(%dma_start3A_256 : memref<128x16xf32, #tpu.memory_space<hbm>>) target_semaphore(%arg28 : memref<!tpu.dma_semaphore, #tpu.memory_space<semaphore_mem>>)
      %dma_wait3A_257 = arith.constant 1024 : i32
      %dma_wait3A_258 = tpu.memref_slice %arg8[%dma_wait3A_257] : memref<1280xi32, #tpu.memory_space<vmem>> -> memref<128xi32, #tpu.memory_space<vmem>>
      %dma_wait3A_259 = arith.constant 0 : i32
      %dma_wait3A_260 = arith.constant 0 : i32
      %dma_wait3A_261 = tpu.memref_slice %arg3[%dma_wait3A_259, %dma_wait3A_260] : memref<10000x16xf32, #tpu.memory_space<hbm>> -> memref<10000x16xf32, #tpu.memory_space<hbm>>
      tpu.wait_indirect_dma semaphore(%arg21 : memref<!tpu.dma_semaphore, #tpu.memory_space<semaphore_mem>>) src(%dma_wait3A_261 : memref<10000x16xf32, #tpu.memory_space<hbm>>) dst(%arg9 : memref<128x16xf32, #tpu.memory_space<vmem>>)
      %add3A_262 = arith.constant 1024 : i32
      %add3A_263 = arith.addi %multiple_of3A, %add3A_262 : i32
      %dma_start3A_264 = arith.constant 0 : i32
      %dma_start3A_265 = tpu.memref_slice %arg6[%add3A_263, %dma_start3A_264] : memref<320000x16xf32, #tpu.memory_space<hbm>> -> memref<128x16xf32, #tpu.memory_space<hbm>>
      %dma_start3A_266 = arith.constant 0 : i32
      %dma_start3A_267 = tpu.memref_slice %arg6[%add3A_263, %dma_start3A_266] : memref<320000x16xf32, #tpu.memory_space<hbm>> -> memref<128x16xf32, #tpu.memory_space<hbm>>
      tpu.enqueue_dma source(%arg9 : memref<128x16xf32, #tpu.memory_space<vmem>>) target(%dma_start3A_267 : memref<128x16xf32, #tpu.memory_space<hbm>>) target_semaphore(%arg25 : memref<!tpu.dma_semaphore, #tpu.memory_space<semaphore_mem>>)
      %dma_wait3A_268 = arith.constant 1152 : i32
      %dma_wait3A_269 = tpu.memref_slice %arg8[%dma_wait3A_268] : memref<1280xi32, #tpu.memory_space<vmem>> -> memref<128xi32, #tpu.memory_space<vmem>>
      %dma_wait3A_270 = arith.constant 0 : i32
      %dma_wait3A_271 = arith.constant 0 : i32
      %dma_wait3A_272 = tpu.memref_slice %arg3[%dma_wait3A_270, %dma_wait3A_271] : memref<10000x16xf32, #tpu.memory_space<hbm>> -> memref<10000x16xf32, #tpu.memory_space<hbm>>
      tpu.wait_indirect_dma semaphore(%arg22 : memref<!tpu.dma_semaphore, #tpu.memory_space<semaphore_mem>>) src(%dma_wait3A_272 : memref<10000x16xf32, #tpu.memory_space<hbm>>) dst(%arg10 : memref<128x16xf32, #tpu.memory_space<vmem>>)
      %add3A_273 = arith.constant 1152 : i32
      %add3A_274 = arith.addi %multiple_of3A, %add3A_273 : i32
      %dma_start3A_275 = arith.constant 0 : i32
      %dma_start3A_276 = tpu.memref_slice %arg6[%add3A_274, %dma_start3A_275] : memref<320000x16xf32, #tpu.memory_space<hbm>> -> memref<128x16xf32, #tpu.memory_space<hbm>>
      %dma_start3A_277 = arith.constant 0 : i32
      %dma_start3A_278 = tpu.memref_slice %arg6[%add3A_274, %dma_start3A_277] : memref<320000x16xf32, #tpu.memory_space<hbm>> -> memref<128x16xf32, #tpu.memory_space<hbm>>
      tpu.enqueue_dma source(%arg10 : memref<128x16xf32, #tpu.memory_space<vmem>>) target(%dma_start3A_278 : memref<128x16xf32, #tpu.memory_space<hbm>>) target_semaphore(%arg26 : memref<!tpu.dma_semaphore, #tpu.memory_space<semaphore_mem>>)
      %dma_wait3A_279 = arith.constant 0 : i32
      %dma_wait3A_280 = tpu.memref_slice %arg6[%add3A_138, %dma_wait3A_279] : memref<320000x16xf32, #tpu.memory_space<hbm>> -> memref<128x16xf32, #tpu.memory_space<hbm>>
      %dma_wait3A_281 = arith.constant 0 : i32
      %dma_wait3A_282 = tpu.memref_slice %arg6[%add3A_138, %dma_wait3A_281] : memref<320000x16xf32, #tpu.memory_space<hbm>> -> memref<128x16xf32, #tpu.memory_space<hbm>>
      tpu.wait_dma2 semaphore(%arg27 : memref<!tpu.dma_semaphore, #tpu.memory_space<semaphore_mem>>) src(%arg11 : memref<128x16xf32, #tpu.memory_space<vmem>>) dst(%dma_wait3A_282 : memref<128x16xf32, #tpu.memory_space<hbm>>)
      %dma_wait3A_283 = arith.constant 0 : i32
      %dma_wait3A_284 = tpu.memref_slice %arg6[%add3A_168, %dma_wait3A_283] : memref<320000x16xf32, #tpu.memory_space<hbm>> -> memref<128x16xf32, #tpu.memory_space<hbm>>
      %dma_wait3A_285 = arith.constant 0 : i32
      %dma_wait3A_286 = tpu.memref_slice %arg6[%add3A_168, %dma_wait3A_285] : memref<320000x16xf32, #tpu.memory_space<hbm>> -> memref<128x16xf32, #tpu.memory_space<hbm>>
      tpu.wait_dma2 semaphore(%arg28 : memref<!tpu.dma_semaphore, #tpu.memory_space<semaphore_mem>>) src(%arg12 : memref<128x16xf32, #tpu.memory_space<vmem>>) dst(%dma_wait3A_286 : memref<128x16xf32, #tpu.memory_space<hbm>>)
      %dma_wait3A_287 = arith.constant 0 : i32
      %dma_wait3A_288 = tpu.memref_slice %arg6[%add3A_189, %dma_wait3A_287] : memref<320000x16xf32, #tpu.memory_space<hbm>> -> memref<128x16xf32, #tpu.memory_space<hbm>>
      %dma_wait3A_289 = arith.constant 0 : i32
      %dma_wait3A_290 = tpu.memref_slice %arg6[%add3A_189, %dma_wait3A_289] : memref<320000x16xf32, #tpu.memory_space<hbm>> -> memref<128x16xf32, #tpu.memory_space<hbm>>
      tpu.wait_dma2 semaphore(%arg25 : memref<!tpu.dma_semaphore, #tpu.memory_space<semaphore_mem>>) src(%arg13 : memref<128x16xf32, #tpu.memory_space<vmem>>) dst(%dma_wait3A_290 : memref<128x16xf32, #tpu.memory_space<hbm>>)
      %dma_wait3A_291 = arith.constant 0 : i32
      %dma_wait3A_292 = tpu.memref_slice %arg6[%add3A_210, %dma_wait3A_291] : memref<320000x16xf32, #tpu.memory_space<hbm>> -> memref<128x16xf32, #tpu.memory_space<hbm>>
      %dma_wait3A_293 = arith.constant 0 : i32
      %dma_wait3A_294 = tpu.memref_slice %arg6[%add3A_210, %dma_wait3A_293] : memref<320000x16xf32, #tpu.memory_space<hbm>> -> memref<128x16xf32, #tpu.memory_space<hbm>>
      tpu.wait_dma2 semaphore(%arg26 : memref<!tpu.dma_semaphore, #tpu.memory_space<semaphore_mem>>) src(%arg14 : memref<128x16xf32, #tpu.memory_space<vmem>>) dst(%dma_wait3A_294 : memref<128x16xf32, #tpu.memory_space<hbm>>)
      %dma_wait3A_295 = arith.constant 0 : i32
      %dma_wait3A_296 = tpu.memref_slice %arg6[%add3A_231, %dma_wait3A_295] : memref<320000x16xf32, #tpu.memory_space<hbm>> -> memref<128x16xf32, #tpu.memory_space<hbm>>
      %dma_wait3A_297 = arith.constant 0 : i32
      %dma_wait3A_298 = tpu.memref_slice %arg6[%add3A_231, %dma_wait3A_297] : memref<320000x16xf32, #tpu.memory_space<hbm>> -> memref<128x16xf32, #tpu.memory_space<hbm>>
      tpu.wait_dma2 semaphore(%arg27 : memref<!tpu.dma_semaphore, #tpu.memory_space<semaphore_mem>>) src(%arg15 : memref<128x16xf32, #tpu.memory_space<vmem>>) dst(%dma_wait3A_298 : memref<128x16xf32, #tpu.memory_space<hbm>>)
      %dma_wait3A_299 = arith.constant 0 : i32
      %dma_wait3A_300 = tpu.memref_slice %arg6[%add3A_252, %dma_wait3A_299] : memref<320000x16xf32, #tpu.memory_space<hbm>> -> memref<128x16xf32, #tpu.memory_space<hbm>>
      %dma_wait3A_301 = arith.constant 0 : i32
      %dma_wait3A_302 = tpu.memref_slice %arg6[%add3A_252, %dma_wait3A_301] : memref<320000x16xf32, #tpu.memory_space<hbm>> -> memref<128x16xf32, #tpu.memory_space<hbm>>
      tpu.wait_dma2 semaphore(%arg28 : memref<!tpu.dma_semaphore, #tpu.memory_space<semaphore_mem>>) src(%arg16 : memref<128x16xf32, #tpu.memory_space<vmem>>) dst(%dma_wait3A_302 : memref<128x16xf32, #tpu.memory_space<hbm>>)
      %dma_wait3A_303 = arith.constant 0 : i32
      %dma_wait3A_304 = tpu.memref_slice %arg6[%add3A_263, %dma_wait3A_303] : memref<320000x16xf32, #tpu.memory_space<hbm>> -> memref<128x16xf32, #tpu.memory_space<hbm>>
      %dma_wait3A_305 = arith.constant 0 : i32
      %dma_wait3A_306 = tpu.memref_slice %arg6[%add3A_263, %dma_wait3A_305] : memref<320000x16xf32, #tpu.memory_space<hbm>> -> memref<128x16xf32, #tpu.memory_space<hbm>>
      tpu.wait_dma2 semaphore(%arg25 : memref<!tpu.dma_semaphore, #tpu.memory_space<semaphore_mem>>) src(%arg9 : memref<128x16xf32, #tpu.memory_space<vmem>>) dst(%dma_wait3A_306 : memref<128x16xf32, #tpu.memory_space<hbm>>)
      %dma_wait3A_307 = arith.constant 0 : i32
      %dma_wait3A_308 = tpu.memref_slice %arg6[%add3A_274, %dma_wait3A_307] : memref<320000x16xf32, #tpu.memory_space<hbm>> -> memref<128x16xf32, #tpu.memory_space<hbm>>
      %dma_wait3A_309 = arith.constant 0 : i32
      %dma_wait3A_310 = tpu.memref_slice %arg6[%add3A_274, %dma_wait3A_309] : memref<320000x16xf32, #tpu.memory_space<hbm>> -> memref<128x16xf32, #tpu.memory_space<hbm>>
      tpu.wait_dma2 semaphore(%arg26 : memref<!tpu.dma_semaphore, #tpu.memory_space<semaphore_mem>>) src(%arg10 : memref<128x16xf32, #tpu.memory_space<vmem>>) dst(%dma_wait3A_310 : memref<128x16xf32, #tpu.memory_space<hbm>>)
    }
    %scan3A_5 = arith.constant 8 : i32
    return
  }
}

module attributes {stable_mosaic.version = 14 : i64} {
  func.func @_ab_body(%arg0: i32, %arg1: memref<2000x128xf32, #tpu.memory_space<vmem>>, %arg2: memref<128x16xf32, #tpu.memory_space<vmem>>, %arg3: memref<128x16xf32, #tpu.memory_space<vmem>>, %arg4: memref<2000x16xf32, #tpu.memory_space<vmem>>, %arg5: memref<2000x16xf32, #tpu.memory_space<vmem>>) attributes {dimension_semantics = [#tpu.dimension_semantics<arbitrary>], iteration_bounds = array<i64: 5>, scalar_prefetch = 0 : i64, scratch_operands = 0 : i64, tpu.core_type = #tpu.core_type<tc>, window_params = [{transform_indices = @transform_0, window_bounds = array<i64: 2000, 128>}, {pipeline_mode = #tpu.pipeline_mode<synchronous>, transform_indices = @transform_1, window_bounds = array<i64: 128, 16>}, {pipeline_mode = #tpu.pipeline_mode<synchronous>, transform_indices = @transform_2, window_bounds = array<i64: 128, 16>}, {transform_indices = @transform_3, window_bounds = array<i64: 2000, 16>}, {transform_indices = @transform_4, window_bounds = array<i64: 2000, 16>}]} {
    %get3A = arith.constant 0 : index
    %get3A_0 = arith.constant 0 : index
    %get3A_1 = vector.load %arg1[%get3A, %get3A_0] : memref<2000x128xf32, #tpu.memory_space<vmem>>, vector<2000x128xf32>
    %get3A_2 = arith.constant 0 : index
    %get3A_3 = arith.constant 0 : index
    %get3A_4 = vector.load %arg2[%get3A_2, %get3A_3] : memref<128x16xf32, #tpu.memory_space<vmem>>, vector<128x16xf32>
    %dot_general3A = arith.constant dense<0.000000e+00> : vector<2000x16xf32>
    %dot_general3A_5 = tpu.matmul %get3A_1, %get3A_4, %dot_general3A {dimension_numbers = #tpu.dot_dimension_numbers<[1], [0], [0], [1], [0, 0, 1, 1], [], []>, transpose_lhs_hint = false} : vector<2000x128xf32>, vector<128x16xf32>, vector<2000x16xf32> -> vector<2000x16xf32>
    %swap3A = arith.constant 0 : index
    %swap3A_6 = arith.constant 0 : index
    %swap3A_7 = vector.load %arg4[%swap3A, %swap3A_6] : memref<2000x16xf32, #tpu.memory_space<vmem>>, vector<2000x16xf32>
    tpu.vector_store %arg4[%swap3A, %swap3A_6], %dot_general3A_5 {strides = array<i32>} : memref<2000x16xf32, #tpu.memory_space<vmem>>, vector<2000x16xf32>,
    %get3A_8 = arith.constant 0 : index
    %get3A_9 = arith.constant 0 : index
    %get3A_10 = vector.load %arg3[%get3A_8, %get3A_9] : memref<128x16xf32, #tpu.memory_space<vmem>>, vector<128x16xf32>
    %dot_general3A_11 = arith.constant dense<0.000000e+00> : vector<2000x16xf32>
    %dot_general3A_12 = tpu.matmul %get3A_1, %get3A_10, %dot_general3A_11 {dimension_numbers = #tpu.dot_dimension_numbers<[1], [0], [0], [1], [0, 0, 1, 1], [], []>, transpose_lhs_hint = false} : vector<2000x128xf32>, vector<128x16xf32>, vector<2000x16xf32> -> vector<2000x16xf32>
    %swap3A_13 = arith.constant 0 : index
    %swap3A_14 = arith.constant 0 : index
    %swap3A_15 = vector.load %arg5[%swap3A_13, %swap3A_14] : memref<2000x16xf32, #tpu.memory_space<vmem>>, vector<2000x16xf32>
    tpu.vector_store %arg5[%swap3A_13, %swap3A_14], %dot_general3A_12 {strides = array<i32>} : memref<2000x16xf32, #tpu.memory_space<vmem>>, vector<2000x16xf32>,
    return
  }
  func.func @transform_0(%arg0: i32) -> (i32, i32) {
    %c0_i32 = arith.constant 0 : i32
    %c0_i32_0 = arith.constant 0 : i32
    return %arg0, %c0_i32 : i32, i32
  }
  func.func @transform_1(%arg0: i32) -> (i32, i32) {
    %c0_i32 = arith.constant 0 : i32
    %c0_i32_0 = arith.constant 0 : i32
    %c0_i32_1 = arith.constant 0 : i32
    return %c0_i32, %c0_i32_0 : i32, i32
  }
  func.func @transform_2(%arg0: i32) -> (i32, i32) {
    %c0_i32 = arith.constant 0 : i32
    %c0_i32_0 = arith.constant 0 : i32
    %c0_i32_1 = arith.constant 0 : i32
    return %c0_i32, %c0_i32_0 : i32, i32
  }
  func.func @transform_3(%arg0: i32) -> (i32, i32) {
    %c0_i32 = arith.constant 0 : i32
    %c0_i32_0 = arith.constant 0 : i32
    return %arg0, %c0_i32 : i32, i32
  }
  func.func @transform_4(%arg0: i32) -> (i32, i32) {
    %c0_i32 = arith.constant 0 : i32
    %c0_i32_0 = arith.constant 0 : i32
    return %arg0, %c0_i32 : i32, i32
  }
}

module attributes {stable_mosaic.version = 14 : i64} {
  func.func @_ei_body(%arg0: memref<2x320000xi32, #tpu.memory_space<vmem>>, %arg1: memref<320000xi32, #tpu.memory_space<vmem>>, %arg2: memref<320000xi32, #tpu.memory_space<vmem>>) attributes {dimension_semantics = [], scalar_prefetch = 0 : i64, scratch_operands = 0 : i64, tpu.core_type = #tpu.core_type<tc>} {
    %get3A = arith.constant 0 : index
    %get3A_0 = arith.constant 0 : index
    %get3A_1 = vector.load %arg0[%get3A, %get3A_0] : memref<2x320000xi32, #tpu.memory_space<vmem>>, vector<2x320000xi32>
    %slice3A = vector.extract_strided_slice %get3A_1 {offsets = [0, 0], sizes = [1, 320000], strides = [1, 1]} : vector<2x320000xi32> to vector<1x320000xi32>
    %squeeze3A = vector.shape_cast %slice3A : vector<1x320000xi32> to vector<320000xi32>
    %swap3A = arith.constant 0 : index
    %swap3A_2 = vector.load %arg1[%swap3A] : memref<320000xi32, #tpu.memory_space<vmem>>, vector<320000xi32>
    tpu.vector_store %arg1[%swap3A], %squeeze3A {strides = array<i32>} : memref<320000xi32, #tpu.memory_space<vmem>>, vector<320000xi32>,
    %slice3A_3 = vector.extract_strided_slice %get3A_1 {offsets = [1, 0], sizes = [1, 320000], strides = [1, 1]} : vector<2x320000xi32> to vector<1x320000xi32>
    %squeeze3A_4 = vector.shape_cast %slice3A_3 : vector<1x320000xi32> to vector<320000xi32>
    %swap3A_5 = arith.constant 0 : index
    %swap3A_6 = vector.load %arg2[%swap3A_5] : memref<320000xi32, #tpu.memory_space<vmem>>, vector<320000xi32>
    tpu.vector_store %arg2[%swap3A_5], %squeeze3A_4 {strides = array<i32>} : memref<320000xi32, #tpu.memory_space<vmem>>, vector<320000xi32>,
    return
  }
}

module attributes {stable_mosaic.version = 14 : i64} {
  func.func @_tail_body(%arg0: i32, %arg1: memref<4000x128xf32, #tpu.memory_space<vmem>>, %arg2: memref<4000x128xf32, #tpu.memory_space<vmem>>, %arg3: memref<128x128xf32, #tpu.memory_space<vmem>>, %arg4: memref<1x128xf32, #tpu.memory_space<vmem>>, %arg5: memref<128x8xf32, #tpu.memory_space<vmem>>, %arg6: memref<1x8xf32, #tpu.memory_space<vmem>>, %arg7: memref<4000x8xf32, #tpu.memory_space<vmem>>) attributes {dimension_semantics = [#tpu.dimension_semantics<arbitrary>], iteration_bounds = array<i64: 10>, scalar_prefetch = 0 : i64, scratch_operands = 0 : i64, tpu.core_type = #tpu.core_type<tc>, window_params = [{transform_indices = @transform_0, window_bounds = array<i64: 4000, 128>}, {transform_indices = @transform_1, window_bounds = array<i64: 4000, 128>}, {pipeline_mode = #tpu.pipeline_mode<synchronous>, transform_indices = @transform_2, window_bounds = array<i64: 128, 128>}, {pipeline_mode = #tpu.pipeline_mode<synchronous>, transform_indices = @transform_3, window_bounds = array<i64: 1, 128>}, {pipeline_mode = #tpu.pipeline_mode<synchronous>, transform_indices = @transform_4, window_bounds = array<i64: 128, 8>}, {pipeline_mode = #tpu.pipeline_mode<synchronous>, transform_indices = @transform_5, window_bounds = array<i64: 1, 8>}, {transform_indices = @transform_6, window_bounds = array<i64: 4000, 8>}]} {
    %get3A = arith.constant 0 : index
    %get3A_0 = arith.constant 0 : index
    %get3A_1 = vector.load %arg1[%get3A, %get3A_0] : memref<4000x128xf32, #tpu.memory_space<vmem>>, vector<4000x128xf32>
    %get3A_2 = arith.constant 0 : index
    %get3A_3 = arith.constant 0 : index
    %get3A_4 = vector.load %arg3[%get3A_2, %get3A_3] : memref<128x128xf32, #tpu.memory_space<vmem>>, vector<128x128xf32>
    %dot_general3A = arith.constant dense<0.000000e+00> : vector<4000x128xf32>
    %dot_general3A_5 = tpu.matmul %get3A_1, %get3A_4, %dot_general3A {dimension_numbers = #tpu.dot_dimension_numbers<[1], [0], [0], [1], [0, 0, 1, 1], [], []>, transpose_lhs_hint = false} : vector<4000x128xf32>, vector<128x128xf32>, vector<4000x128xf32> -> vector<4000x128xf32>
    %get3A_6 = arith.constant 0 : index
    %get3A_7 = arith.constant 0 : index
    %get3A_8 = vector.load %arg4[%get3A_6, %get3A_7] : memref<1x128xf32, #tpu.memory_space<vmem>>, vector<1x128xf32>
    %add3A = vector.broadcast %get3A_8 : vector<1x128xf32> to vector<4000x128xf32>
    %add3A_9 = arith.addf %dot_general3A_5, %add3A : vector<4000x128xf32>
    %get3A_10 = arith.constant 0 : index
    %get3A_11 = arith.constant 0 : index
    %get3A_12 = vector.load %arg2[%get3A_10, %get3A_11] : memref<4000x128xf32, #tpu.memory_space<vmem>>, vector<4000x128xf32>
    %add3A_13 = arith.addf %add3A_9, %get3A_12 : vector<4000x128xf32>
    %mul3A = arith.constant 0.00999999977 : f32
    %mul3A_14 = vector.broadcast %mul3A : f32 to vector<4000x128xf32>
    %mul3A_15 = arith.mulf %add3A_13, %mul3A_14 : vector<4000x128xf32>
    %max3A = arith.maximumf %add3A_13, %mul3A_15 : vector<4000x128xf32>
    %get3A_16 = arith.constant 0 : index
    %get3A_17 = arith.constant 0 : index
    %get3A_18 = vector.load %arg5[%get3A_16, %get3A_17] : memref<128x8xf32, #tpu.memory_space<vmem>>, vector<128x8xf32>
    %dot_general3A_19 = arith.constant dense<0.000000e+00> : vector<4000x8xf32>
    %dot_general3A_20 = tpu.matmul %max3A, %get3A_18, %dot_general3A_19 {dimension_numbers = #tpu.dot_dimension_numbers<[1], [0], [0], [1], [0, 0, 1, 1], [], []>, transpose_lhs_hint = false} : vector<4000x128xf32>, vector<128x8xf32>, vector<4000x8xf32> -> vector<4000x8xf32>
    %get3A_21 = arith.constant 0 : index
    %get3A_22 = arith.constant 0 : index
    %get3A_23 = vector.load %arg6[%get3A_21, %get3A_22] : memref<1x8xf32, #tpu.memory_space<vmem>>, vector<1x8xf32>
    %add3A_24 = vector.broadcast %get3A_23 : vector<1x8xf32> to vector<4000x8xf32>
    %add3A_25 = arith.addf %dot_general3A_20, %add3A_24 : vector<4000x8xf32>
    %mul3A_26 = arith.constant 0.00999999977 : f32
    %mul3A_27 = vector.broadcast %mul3A_26 : f32 to vector<4000x8xf32>
    %mul3A_28 = arith.mulf %add3A_25, %mul3A_27 : vector<4000x8xf32>
    %max3A_29 = arith.maximumf %add3A_25, %mul3A_28 : vector<4000x8xf32>
    %swap3A = arith.constant 0 : index
    %swap3A_30 = arith.constant 0 : index
    %swap3A_31 = vector.load %arg7[%swap3A, %swap3A_30] : memref<4000x8xf32, #tpu.memory_space<vmem>>, vector<4000x8xf32>
    tpu.vector_store %arg7[%swap3A, %swap3A_30], %max3A_29 {strides = array<i32>} : memref<4000x8xf32, #tpu.memory_space<vmem>>, vector<4000x8xf32>,
    return
  }
  func.func @transform_0(%arg0: i32) -> (i32, i32) {
    %c0_i32 = arith.constant 0 : i32
    %c0_i32_0 = arith.constant 0 : i32
    return %arg0, %c0_i32 : i32, i32
  }
  func.func @transform_1(%arg0: i32) -> (i32, i32) {
    %c0_i32 = arith.constant 0 : i32
    %c0_i32_0 = arith.constant 0 : i32
    return %arg0, %c0_i32 : i32, i32
  }
  func.func @transform_2(%arg0: i32) -> (i32, i32) {
    %c0_i32 = arith.constant 0 : i32
    %c0_i32_0 = arith.constant 0 : i32
    %c0_i32_1 = arith.constant 0 : i32
    return %c0_i32, %c0_i32_0 : i32, i32
  }
  func.func @transform_3(%arg0: i32) -> (i32, i32) {
    %c0_i32 = arith.constant 0 : i32
    %c0_i32_0 = arith.constant 0 : i32
    %c0_i32_1 = arith.constant 0 : i32
    return %c0_i32, %c0_i32_0 : i32, i32
  }
  func.func @transform_4(%arg0: i32) -> (i32, i32) {
    %c0_i32 = arith.constant 0 : i32
    %c0_i32_0 = arith.constant 0 : i32
    %c0_i32_1 = arith.constant 0 : i32
    return %c0_i32, %c0_i32_0 : i32, i32
  }
  func.func @transform_5(%arg0: i32) -> (i32, i32) {
    %c0_i32 = arith.constant 0 : i32
    %c0_i32_0 = arith.constant 0 : i32
    %c0_i32_1 = arith.constant 0 : i32
    return %c0_i32, %c0_i32_0 : i32, i32
  }
  func.func @transform_6(%arg0: i32) -> (i32, i32) {
    %c0_i32 = arith.constant 0 : i32
    %c0_i32_0 = arith.constant 0 : i32
    return %arg0, %c0_i32 : i32, i32
  }
}

</mosaic_0001>

<sc_bundles>
// kernel: kernel.6.cloned.1.call-start
scs
__scs_entry_jumppad:
0x0: {  	(pc) =	sbr.rel $0x88, $3  }
0x1: {  	(tag) =	ssettag $0x0;
	lr =	simm.s32 $0x1  }
0x2: {  	[smem:$0x3F9A] =	sst lr;
	_ =	strace $0xD0000000  }
0x3: {  	_ = 	snop  }
0x4: {  	_ = 	snop  }
0x5: {  	_ = 	snop  }
0x6: {  	_ = 	snop  }
0x7: {  	_ = 	snop  }
__scs_overlays_trampoline_lowered:
0x8: {  	[smem:$0x3FA9] =	sst s0  }
0x9: {  	[smem:$0x3FAA] =	sst s1  }
0xa: {  	[smem:$0x3FAB] =	sst s2  }
0xb: {  	[smem:$0x3FAC] =	sst s3  }
0xc: {  	[smem:$0x3FAD] =	sst s4  }
0xd: {  	[smem:$0x3FAE] =	sst s5  }
0xe: {  	[smem:$0x3FAF] =	sst s6  }
0xf: {  	[smem:$0x3FB0] =	sst s7  }
0x10: {  	[smem:$0x3FB1] =	sst s8  }
0x11: {  	[smem:$0x3FB2] =	sst s9;
	s0 =	simm.s32 @!p0 $0x0  }
0x12: {  	s1 =	sld [smem:$0x3F98];
	s0 =	simm.s32 @p0 $0x1  }
0x13: {  	[smem:$0x3FB3] =	sst s0;
	s0 =	simm.s32 @!p1 $0x0  }
0x14: {  	s2 =	sld [smem:$0x3F97];
	s0 =	simm.s32 @p1 $0x1  }
0x15: {  	[smem:$0x3FB4] =	sst s0;
	s0 =	simm.s32 @!p2 $0x0  }
0x16: {  	s3 =	sld [smem:$0x3FDB];
	s0 =	simm.s32 @p2 $0x1  }
0x17: {  	s4 =	simm.s32 $0x1BF5;
	[smem:$0x3FB6] =	sst s0  }
0x18: {  	s0 =	sld [smem:$0x3F99];
	_ =	swait.ge [sflag:s4], $0x0  }
0x19: {  	s7 =	sld [smem:$0x3F9A]  }
0x1a: {  	s8 =	sadd.s32 $0xFFFFE003, lr  }
0x1b: {  	s9 =	sadd.s32 $0xFFFFFEF7, lr;
	s5 =	simm.s32 $0xFFFFFFFF;
	p2 =	slt.u32 s8, $0xFFFFF086  }
0x1c: {  	p1 =	slt.u32 s9, $0xF7A;
	s5 =	simm.s32 @!p2 $0x0  }
0x1d: {  	s5 =	simm.s32 @p1 $0x1;
	p0 =	seq.s32 s7, s2  }
0x1e: {  	s7 =	smul.u32 @!p0 $0xF7A, s2;
	p2 =	seq.s32 @!p0 s5, $0x0  }
0x1f: {  	s9 =	smul.u32 $0xF7A, s1;
	s8 =	simm.s32 @!p0 $0x1BF5;
	p2 =	por !p2, p0  }
0x20: {  	[sflag:s8] =	ssyncset.s32 @!p0 $0xFFFFF086;
	s6 =	sadd.s32 @!p0 s3, s7;
	s7 =	simm.s32 @!p0 $0x108  }
0x21: {  	s3 =	sadd.s32 s3, s9;
	s6 =	sadd.s32 @!p0 $0x88, s6;
	s7 =	simm.s32 @p2 $0x1082  }
0x22: {  	[simem:s7], [sflag:s8] =	dma.local @!p0 [hbm:s6], $0xF7A  }
0x23: {  	s9 =	sor.u32 $0xD0000000, s2;
	s6 =	simm.s32 $0x108;
	_ =	swait.ge @!p0 [sflag:s8], $0x0  }
0x24: {  	s3 =	sadd.s32 $0x88, s3;
	s6 =	simm.s32 @!p1 $0x1082;
	[sflag:s4] =	ssyncset.s32 $0xFFFFF086  }
0x25: {  	[simem:s6], [sflag:s4] =	dma.local [hbm:s3], $0xF7A  }
0x26: {  	[smem:$0x3F9A] =	sst s1;
	(tag) =	ssettag s2;
	_ =	strace s9  }
0x27: {  	s1 =	sld [smem:$0x3FAA]  }
0x28: {  	s2 =	sld [smem:$0x3FAB]  }
0x29: {  	s4 =	sld [smem:$0x3FAD]  }
0x2a: {  	p0 =	seq.s32 s5, $0x0;
	s5 =	sld [smem:$0x3FAE]  }
0x2b: {  	s6 =	sld [smem:$0x3FAF]  }
0x2c: {  	s7 =	sld [smem:$0x3FB0]  }
0x2d: {  	s3 =	simm.s32 $0x108;
	s8 =	sld [smem:$0x3FB1]  }
0x2e: {  	s3 =	simm.s32 @!p0 $0x1082;
	s9 =	sld [smem:$0x3FB2]  }
0x2f: {  	lr =	sadd.s32 s0, s3;
	s0 =	sld [smem:$0x3FA9]  }
0x30: {  	s3 =	sld [smem:$0x3FAC]  }
0x31: {  	[smem:$0x3FB5] =	sst s10  }
0x32: {  	s10 =	sld [smem:$0x3FB3];
	_ =	sdelay $0x3  }
0x33: {  	p0 =	seq.s32 s10, $0x1;
	s10 =	sld [smem:$0x3FB5];
	_ =	sdelay $0x3  }
0x34: {  	[smem:$0x3FB5] =	sst s10  }
0x35: {  	s10 =	sld [smem:$0x3FB4];
	_ =	sdelay $0x3  }
0x36: {  	p1 =	seq.s32 s10, $0x1;
	s10 =	sld [smem:$0x3FB5];
	_ =	sdelay $0x3  }
0x37: {  	[smem:$0x3FB5] =	sst s10  }
0x38: {  	s10 =	sld [smem:$0x3FB6]  }
0x39: {  	_ = 	snop;
	(pc) =	sbr.ind lr, $3  }
0x3a: {  	_ = 	snop  }
0x3b: {  	_ = 	snop  }
0x3c: {  	p2 =	seq.s32 s10, $0x1;
	s10 =	sld [smem:$0x3FB5]  }
0x3d: {  	_ =	shalt  }
0x3e: {  	_ =	shalt  }
0x3f: {  	_ =	shalt  }
0x40: {  	_ =	shalt  }
0x41: {  	_ =	shalt  }
0x42: {  	_ =	shalt  }
0x43: {  	_ =	shalt  }
0x44: {  	_ =	shalt  }
0x45: {  	_ =	shalt  }
0x46: {  	_ =	shalt  }
0x47: {  	_ =	shalt  }
0x48: {  	_ =	shalt  }
0x49: {  	_ =	shalt  }
0x4a: {  	_ =	shalt  }
0x4b: {  	_ =	shalt  }
0x4c: {  	_ =	shalt  }
0x4d: {  	_ =	shalt  }
0x4e: {  	_ =	shalt  }
0x4f: {  	_ =	shalt  }
0x50: {  	_ =	shalt  }
0x51: {  	_ =	shalt  }
0x52: {  	_ =	shalt  }
0x53: {  	_ =	shalt  }
0x54: {  	_ =	shalt  }
0x55: {  	_ =	shalt  }
0x56: {  	_ =	shalt  }
0x57: {  	_ =	shalt  }
0x58: {  	_ =	shalt  }
0x59: {  	_ =	shalt  }
0x5a: {  	_ =	shalt  }
0x5b: {  	_ =	shalt  }
0x5c: {  	_ =	shalt  }
0x5d: {  	_ =	shalt  }
0x5e: {  	_ =	shalt  }
0x5f: {  	_ =	shalt  }
0x60: {  	_ =	shalt  }
0x61: {  	_ =	shalt  }
0x62: {  	_ =	shalt  }
0x63: {  	_ =	shalt  }
0x64: {  	_ =	shalt  }
0x65: {  	_ =	shalt  }
0x66: {  	_ =	shalt  }
0x67: {  	_ =	shalt  }
0x68: {  	_ =	shalt  }
0x69: {  	_ =	shalt  }
0x6a: {  	_ =	shalt  }
0x6b: {  	_ =	shalt  }
0x6c: {  	_ =	shalt  }
0x6d: {  	_ =	shalt  }
0x6e: {  	_ =	shalt  }
0x6f: {  	_ =	shalt  }
0x70: {  	_ =	shalt  }
0x71: {  	_ =	shalt  }
0x72: {  	_ =	shalt  }
0x73: {  	_ =	shalt  }
0x74: {  	_ =	shalt  }
0x75: {  	_ =	shalt  }
0x76: {  	_ =	shalt  }
0x77: {  	_ =	shalt  }
0x78: {  	_ =	shalt  }
0x79: {  	_ =	shalt  }
0x7a: {  	_ =	shalt  }
0x7b: {  	_ =	shalt  }
0x7c: {  	_ =	shalt  }
0x7d: {  	_ =	shalt  }
0x7e: {  	_ =	shalt  }
0x7f: {  	_ =	shalt  }
0x80: {  	_ =	shalt  }
0x81: {  	_ =	shalt  }
0x82: {  	_ =	shalt  }
0x83: {  	_ =	shalt  }
0x84: {  	_ =	shalt  }
0x85: {  	_ =	shalt  }
0x86: {  	_ =	shalt  }
0x87: {  	_ =	shalt  }
.Lfunc_end0:
.L_simem_size_0:
called_computation_lowered:
.L_overlay_start_0:
0x88: {  	s2 =	sld [smem:$0x3FD9]  }
0x89: {  	s3 =	sld [smem:$0x3FFE];
	_ =	sdelay $0x1  }
0x8a: {  	s1 =	srdreg.scid  }
0x8b: {  	s0 =	sand.u32 $0x1, s1  }
0x8c: {  	s17 =	sshll.u32 s0, $0xA;
	s2 =	sadd.s32 s3, s2  }
0x8d: {  	s2 =	sadd.s32 s2, s17  }
0x8e: {  	[smem:$0x3FC1] =	sst s2  }
0x8f: {  	_ = 	snop  }
0x90: {  	s2 =	sld [smem:$0x3FD0];
	(tm) =	ssettm $0x1  }
0x91: {  	s18 =	sld [smem:$0x3FFB];
	_ =	sdelay $0x3  }
0x92: {  	_ =	strace s18  }
0x93: {  	s3 =	sld [smem:$0x3FFC];
	_ =	sdelay $0x3  }
0x94: {  	_ =	strace s3  }
0x95: {  	s3 =	sld [smem:$0x3FFD];
	_ =	sdelay $0x3  }
0x96: {  	_ =	strace s3  }
0x97: {  	_ =	strace $0x8FFFFFFF  }
0x98: {  	s19 =	sld [smem:$0x3FDB];
	_ =	sdelay $0x1  }
0x99: {  	s4 =	simm.s32 $_scs_section_size  }
0x9a: {  	s5 =	simm.s32 $_size__tile_overlayer_lowered;
	s6 =	simm.s32 $_tile_overlayer_lowered  }
0x9b: {  	s22 =	simm.s32 $0x1BFF;
	s21 =	sshll.u32 s6, $0x1;
	s3 =	sadd.s32 s4, s19  }
0x9c: {  	s7 =	simm.s32 $0x0;
	s20 =	sshll.u32 s5, $0x1;
	s5 =	sadd.s32 s21, s3  }
0x9d: {  	[timem:s7], [sflag:s22] =	dma.local [hbm:s5], s20  }
0x9e: {  	_ =	swait.ge [sflag:s22], s20  }
0x9f: {  	s4 =	ssub.s32 $0x0, s20;
	[sflag:s22] =	ssyncset.done $0x0  }
0xa0: {  	[sflag:s22] =	ssyncadd.s32 s4;
	_ =	sdelay $0x1  }
0xa1: {  	s23 =	simm.s32 $0x1B8B  }
0xa2: {  	_ =	swait.ge [sflag:s23], $0x1  }
0xa3: {  	[sflag:s23] =	ssyncset.done $0x0  }
0xa4: {  	s25 =	simm.s32 $0x1B8E;
	s24 =	sld [smem:$0x3FFE];
	[sflag:s23] =	ssyncadd.s32 $0xFFFFFFFF  }
0xa5: {  	s26 =	simm.s32 $execute0_lowered;
	[smem:$0x3FD2] =	sst s25  }
0xa6: {  	s5 =	sshll.u32 s26, $0x1;
	_ =	strace $0x80000046;
	[dreg:$0x1] =	wrdreg $0xFFFFFFFF  }
0xa7: {  	s28 =	simm.s32 $_size_execute0_lowered;
	s3 =	sadd.s32 s3, s5;
	[dreg:$0x0] =	wrdreg $0x0  }
0xa8: {  	s5 =	sshll.u32 s28, $0x1;
	[dreg:$0x2] =	wrdreg s3  }
0xa9: {  	[dreg:$0x3] =	wrdreg s5  }
0xaa: {  	[dreg:$0x4] =	wrdreg $0xC0  }
0xab: {  	_ =	task [dreg:s7], $0x5FFFF  }
0xac: {  	[dreg:$0x1] =	wrdreg $0xFFFFFFFF  }
0xad: {  	[dreg:$0x0] =	wrdreg $0x60  }
0xae: {  	[dreg:$0x2] =	wrdreg s24  }
0xaf: {  	[dreg:$0x3] =	wrdreg s2  }
0xb0: {  	[dreg:$0x4] =	wrdreg $0x9  }
0xb1: {  	_ =	task.clear_ibuf [dreg:s7], $0x5FFFF;
	_ =	strace $0x90000046  }
0xb2: {  	s29 =	simm.s32 $0x9;
	_ =	strace $0x80000048  }
0xb3: {  	_ =	swait.ge [sflag:s29], $0x1  }
0xb4: {  	[sflag:s29] =	ssyncadd.s32 $0xFFFFFFFF  }
0xb5: {  	_ =	strace $0x90000048  }
0xb6: {  	_ =	sfence  }
0xb7: {  	s30 =	sld [smem:$0x0];
	_ =	sdelay $0x2  }
0xb8: {  	s31 =	sshll.u32 s1, $0xD;
	s1 =	sshrl.u32 s1, $0x2  }
0xb9: {  	s3 =	sand.u32 $0x4000, s31;
	s1 =	sadd.s32 s1, s30  }
0xba: {  	s0 =	sor.u32 s3, s0;
	s1 =	sshll.u32 s1, $0x11  }
0xbb: {  	s0 =	sor.u32 s1, s0  }
0xbc: {  	s0 =	sadd.s32 $0x8F2B, s0  }
0xbd: {  	[sflag:s0] =	ssyncadd.remote.s32 $0x1  }
0xbe: {  	_ =	sfence.sel $0xFFFF  }
0xbf: {  	[dreg:$0x0] =	wrdreg $0xFFFFFFFF;
	(pc) =	sbr.abs _section_cstart, $3  }
0xc0: {  	[dreg:$0x1] =	wrdreg $0xFFFFFFFF  }
0xc1: {  	_ =	task.clear_ibuf [dreg:s7], $0x2FFFF;
	_ =	strace $0x9FFFFFFF  }
0xc2: {  	(tm) =	ssettm $0x7FFFFFFF  }
0xc3: {  	_ =	shalt  }
tec
execute0_lowered:
.L_overlay_start_1:
0x0: {  	(tag) =	ssettag $0x1  }
0x1: {  	s0 =	rddreg [dreg:$0x0]  }
0x2: {  	s1 =	rddreg [dreg:$0x1]  }
0x3: {  	[dreg:$0x3] =	wrdreg s1;
	s1 =	simm.s32 $0x0  }
0x4: {  	s2 =	sadd.s32 $0x2E00, s0;
	s3 =	sadd.s32 $0xCE00, s0;
	[smem:$0x7FF] =	sst s1  }
0x5: {  	s8 =	sadd.s32 $0x16C00, s0;
	_ =	strace $0x80000047;
	[dreg:$0x4] =	wrdreg s3  }
0x6: {  	s4 =	sadd.s32 $0x7E00, s0;
	s0 =	sadd.s32 $0x16D00, s0;
	[dreg:$0x18] =	wrdreg s8  }
0x7: {  	s11 =	simm.s32 $0x100;
	[dreg:$0x5] =	wrdreg s0  }
0x8: {  	s12 =	simm.s32 $0x180;
	[dreg:$0x7] =	wrdreg s11  }
0x9: {  	s13 =	simm.s32 $0x200;
	[dreg:$0x8] =	wrdreg s12  }
0xa: {  	s5 =	srdreg.scid;
	s14 =	simm.s32 $0x580;
	[dreg:$0x9] =	wrdreg s13  }
0xb: {  	s15 =	simm.s32 $0x280;
	s16 =	simm.s32 $0x600;
	[dreg:$0xa] =	wrdreg s14  }
0xc: {  	s17 =	simm.s32 $0x300;
	s18 =	simm.s32 $0x680;
	[dreg:$0xb] =	wrdreg s15  }
0xd: {  	s19 =	simm.s32 $0x380;
	s20 =	simm.s32 $0x700;
	[dreg:$0xc] =	wrdreg s16  }
0xe: {  	s21 =	simm.s32 $0x400;
	s22 =	simm.s32 $0x780;
	[dreg:$0xd] =	wrdreg s17  }
0xf: {  	s23 =	simm.s32 $0x480;
	s24 =	simm.s32 $0x800;
	[dreg:$0xe] =	wrdreg s18  }
0x10: {  	s25 =	simm.s32 $0x880;
	s26 =	simm.s32 $0x900;
	[dreg:$0xf] =	wrdreg s19  }
0x11: {  	s28 =	simm.s32 $0x8;
	s29 =	simm.s32 $0xB;
	[dreg:$0x10] =	wrdreg s20  }
0x12: {  	s30 =	simm.s32 $0xC;
	s31 =	sand.u32 $0x1, s5;
	[dreg:$0x11] =	wrdreg s21  }
0x13: {  	s6 =	ssub.s32 $0x2, s31;
	s8 =	stileid.u32;
	[dreg:$0x12] =	wrdreg s22  }
0x14: {  	s7 =	sshrl.u32 s6, $0x1;
	s11 =	simm.s32 $0x1200;
	[dreg:$0x13] =	wrdreg s23  }
0x15: {  	s14 =	simm.s32 $0x1;
	s16 =	simm.s32 $0x2;
	[dreg:$0x14] =	wrdreg s24  }
0x16: {  	s18 =	simm.s32 $0x3;
	s20 =	simm.s32 $0x5;
	[dreg:$0x15] =	wrdreg s25  }
0x17: {  	s21 =	simm.s32 $0x4;
	[dreg:$0x16] =	wrdreg s26;
	s23 =	simm.s32 $0x6  }
0x18: {  	s24 =	simm.s32 $0x9;
	s25 =	simm.s32 $0x7;
	s6 =	ssub.s32 s6, s7  }
0x19: {  	s26 =	simm.s32 $0xA;
	s8 =	sshll.u32 s8, $0x1;
	s10 =	smax.u32 s6, $0x1  }
0x1a: {  	s3 =	simm.s32 $0x0;
	s9 =	sor.u32 s31, s8;
	[dreg:$0x19] =	wrdreg s10  }
0x1b: {  	s7 =	simm.s32 $0xD;
	s31 =	simm.s32 $0x980;
	[dreg:$0x6] =	wrdreg s9  }
0x1c: {  	s9 =	simm.s32 $0x80;
	s10 =	simm.s32 $0xA00;
	[dreg:$0x17] =	wrdreg s31  }
.LBB2_1:
0x1d: {  	s0 =	rddreg [dreg:$0x6]  }
0x1e: {  	s0 =	sadd.s32 $0x0, s0  }
0x1f: {  	p0 =	slt.s32 s0, $0xF9  }
0x20: {  	s0 =	simm.s32 @!p0 $0xF9  }
0x21: {  	s6 =	smul.u32 $0xA0, s0  }
0x22: {  	s19 =	rddreg [dreg:$0x3]  }
0x23: {  	[dreg:$0x1a] =	wrdreg s3;
	s3 =	sadd.s32 s19, s6  }
0x24: {  	[tilespmem:s1], [sflag:$0xD] =	stream.linear.gather [hbm4b:s3+s1], $0x500, $0x38;
	[tilespmem:$0x4A00] =	vst v63  }
0x25: {  	_ =	swait.ge [sflag:s7], $0x500  }
0x26: {  	s22 =	rddreg [dreg:$0x4];
	[sflag:s7] =	ssyncset.done $0x0  }
0x27: {  	s8 =	simm.s32 $0x500;
	[sflag:s7] =	ssyncadd.s32 $0xFFFFFB00;
	s3 =	sadd.s32 s22, s6  }
0x28: {  	[tilespmem:s8], [sflag:$0xD] =	stream.linear.gather [hbm4b:s3+s1], $0x500, $0x38;
	[tilespmem:$0x4A00] =	vst v63  }
0x29: {  	_ =	swait.ge [sflag:s7], $0x500  }
0x2a: {  	[sflag:s7] =	ssyncset.done $0x0  }
0x2b: {  	[sflag:s7] =	ssyncadd.s32 $0xFFFFFB00  }
0x2c: {  	[tilespmem:s10], [sflag:$0x1] =	stream.indirect.gather [hbm4b:s2+s9], $0x10, s1, s9, $0xb8;
	[tilespmem:$0x4A00] =	vst v63  }
0x2d: {  	_ = 	snop  }
0x2e: {  	[tilespmem:s11], [sflag:$0x2] =	stream.indirect.gather [hbm4b:s2+s9], $0x10, s9, s9, $0xb8;
	[tilespmem:$0x4A00] =	vst v63  }
0x2f: {  	s12 =	simm.s32 $0x1A00;
	s31 =	rddreg [dreg:$0x7]  }
0x30: {  	[tilespmem:s12], [sflag:$0x3] =	stream.indirect.gather [hbm4b:s2+s9], $0x10, s31, s9, $0xb8;
	[tilespmem:$0x4A00] =	vst v63  }
0x31: {  	s13 =	simm.s32 $0x2200;
	s5 =	rddreg [dreg:$0x8]  }
0x32: {  	[tilespmem:s13], [sflag:$0x4] =	stream.indirect.gather [hbm4b:s2+s9], $0x10, s5, s9, $0xb8;
	[tilespmem:$0x4A00] =	vst v63  }
0x33: {  	_ =	swait.ge [sflag:s14], $0x800  }
0x34: {  	[sflag:s14] =	ssyncset.done $0x0  }
0x35: {  	[sflag:s14] =	ssyncadd.s32 $0xFFFFF800  }
0x36: {  	[tilespmem:s10], [sflag:$0x5] =	stream.indirect.gather.add.f32 [hbm:s4], $0x10, s8, s9, $0xb8;
	[tilespmem:$0x4A00] =	vst v63  }
0x37: {  	s15 =	rddreg [dreg:$0x9];
	s8 =	simm.s32 $0x2A00  }
0x38: {  	[tilespmem:s8], [sflag:$0x1] =	stream.indirect.gather [hbm4b:s2+s9], $0x10, s15, s9, $0xb8;
	[tilespmem:$0x4A00] =	vst v63  }
0x39: {  	_ =	swait.ge [sflag:s16], $0x800  }
0x3a: {  	[sflag:s16] =	ssyncset.done $0x0  }
0x3b: {  	s17 =	rddreg [dreg:$0xa];
	[sflag:s16] =	ssyncadd.s32 $0xFFFFF800  }
0x3c: {  	[tilespmem:s11], [sflag:$0x6] =	stream.indirect.gather.add.f32 [hbm:s4], $0x10, s17, s9, $0xb8;
	[tilespmem:$0x4A00] =	vst v63  }
0x3d: {  	s15 =	simm.s32 $0x3200;
	s19 =	rddreg [dreg:$0xb]  }
0x3e: {  	[tilespmem:s15], [sflag:$0x2] =	stream.indirect.gather [hbm4b:s2+s9], $0x10, s19, s9, $0xb8;
	[tilespmem:$0x4A00] =	vst v63  }
0x3f: {  	_ =	swait.ge [sflag:s18], $0x800  }
0x40: {  	[sflag:s18] =	ssyncset.done $0x0  }
0x41: {  	s22 =	rddreg [dreg:$0xc];
	[sflag:s18] =	ssyncadd.s32 $0xFFFFF800  }
0x42: {  	[tilespmem:s12], [sflag:$0x7] =	stream.indirect.gather.add.f32 [hbm:s4], $0x10, s22, s9, $0xb8;
	[tilespmem:$0x4A00] =	vst v63  }
0x43: {  	s17 =	simm.s32 $0x3A00;
	s31 =	rddreg [dreg:$0xd]  }
0x44: {  	[tilespmem:s17], [sflag:$0x3] =	stream.indirect.gather [hbm4b:s2+s9], $0x10, s31, s9, $0xb8;
	[tilespmem:$0x4A00] =	vst v63  }
0x45: {  	s3 =	smul.u32 $0xA00, s0;
	_ =	swait.ge [sflag:s20], $0x800  }
0x46: {  	[sflag:s20] =	ssyncset.done $0x0;
	s19 =	rddreg [dreg:$0x18]  }
0x47: {  	[sflag:s20] =	ssyncadd.s32 $0xFFFFF800;
	s5 =	sadd.s32 s19, s3  }
0x48: {  	[hbm4b:s5+s1] =	stream.linear.scatter [tilespmem:s10], [sflag:$0x9], $0x800, $0x38;
	[tilespmem:$0x4A00] =	vst v63  }
0x49: {  	_ =	swait.ge [sflag:s21], $0x800  }
0x4a: {  	[sflag:s21] =	ssyncset.done $0x0  }
0x4b: {  	s22 =	rddreg [dreg:$0xe];
	[sflag:s21] =	ssyncadd.s32 $0xFFFFF800  }
0x4c: {  	[tilespmem:s13], [sflag:$0x8] =	stream.indirect.gather.add.f32 [hbm:s4], $0x10, s22, s9, $0xb8;
	[tilespmem:$0x4A00] =	vst v63  }
0x4d: {  	s5 =	simm.s32 $0x4200;
	s31 =	rddreg [dreg:$0xf]  }
0x4e: {  	[tilespmem:s5], [sflag:$0x4] =	stream.indirect.gather [hbm4b:s2+s9], $0x10, s31, s9, $0xb8;
	[tilespmem:$0x4A00] =	vst v63  }
0x4f: {  	_ =	swait.ge [sflag:s23], $0x800  }
0x50: {  	s31 =	rddreg [dreg:$0x5];
	[sflag:s23] =	ssyncset.done $0x0  }
0x51: {  	[sflag:s23] =	ssyncadd.s32 $0xFFFFF800;
	s3 =	sadd.s32 s3, s31  }
0x52: {  	[hbm4b:s3+s1] =	stream.linear.scatter [tilespmem:s11], [sflag:$0xA], $0x800, $0x38;
	[tilespmem:$0x4A00] =	vst v63  }
0x53: {  	_ =	swait.ge [sflag:s14], $0x800  }
0x54: {  	[sflag:s14] =	ssyncset.done $0x0  }
0x55: {  	s22 =	rddreg [dreg:$0x10];
	[sflag:s14] =	ssyncadd.s32 $0xFFFFF800  }
0x56: {  	[tilespmem:s8], [sflag:$0x5] =	stream.indirect.gather.add.f32 [hbm:s4], $0x10, s22, s9, $0xb8;
	[tilespmem:$0x4A00] =	vst v63  }
0x57: {  	_ =	swait.ge [sflag:s24], $0x800  }
0x58: {  	[sflag:s24] =	ssyncset.done $0x0  }
0x59: {  	s0 =	smul.u32 $0x5000, s0;
	s31 =	rddreg [dreg:$0x11];
	[sflag:s24] =	ssyncadd.s32 $0xFFFFF800  }
0x5a: {  	[tilespmem:s10], [sflag:$0x1] =	stream.indirect.gather [hbm4b:s2+s9], $0x10, s31, s9, $0xb8;
	[tilespmem:$0x4A00] =	vst v63  }
0x5b: {  	s0 =	sshrl.u32 s0, $0x3;
	_ =	swait.ge [sflag:s25], $0x800  }
0x5c: {  	s0 =	sadd.s32 s19, s0;
	[sflag:s25] =	ssyncset.done $0x0  }
0x5d: {  	s6 =	sadd.s32 $0x200, s0;
	[sflag:s25] =	ssyncadd.s32 $0xFFFFF800  }
0x5e: {  	[hbm4b:s6+s1] =	stream.linear.scatter [tilespmem:s12], [sflag:$0xB], $0x800, $0x38;
	[tilespmem:$0x4A00] =	vst v63  }
0x5f: {  	_ =	swait.ge [sflag:s16], $0x800  }
0x60: {  	[sflag:s16] =	ssyncset.done $0x0  }
0x61: {  	s12 =	rddreg [dreg:$0x12];
	[sflag:s16] =	ssyncadd.s32 $0xFFFFF800  }
0x62: {  	[tilespmem:s15], [sflag:$0x6] =	stream.indirect.gather.add.f32 [hbm:s4], $0x10, s12, s9, $0xb8;
	[tilespmem:$0x4A00] =	vst v63  }
0x63: {  	_ =	swait.ge [sflag:s26], $0x800  }
0x64: {  	[sflag:s26] =	ssyncset.done $0x0  }
0x65: {  	s19 =	rddreg [dreg:$0x13];
	[sflag:s26] =	ssyncadd.s32 $0xFFFFF800  }
0x66: {  	[tilespmem:s11], [sflag:$0x2] =	stream.indirect.gather [hbm4b:s2+s9], $0x10, s19, s9, $0xb8;
	[tilespmem:$0x4A00] =	vst v63  }
0x67: {  	_ =	swait.ge [sflag:s28], $0x800  }
0x68: {  	[sflag:s28] =	ssyncset.done $0x0  }
0x69: {  	s22 =	sadd.s32 $0x300, s0;
	[sflag:s28] =	ssyncadd.s32 $0xFFFFF800  }
0x6a: {  	[hbm4b:s22+s1] =	stream.linear.scatter [tilespmem:s13], [sflag:$0xC], $0x800, $0x38;
	[tilespmem:$0x4A00] =	vst v63  }
0x6b: {  	_ =	swait.ge [sflag:s18], $0x800  }
0x6c: {  	[sflag:s18] =	ssyncset.done $0x0  }
0x6d: {  	s31 =	rddreg [dreg:$0x14];
	[sflag:s18] =	ssyncadd.s32 $0xFFFFF800  }
0x6e: {  	[tilespmem:s17], [sflag:$0x7] =	stream.indirect.gather.add.f32 [hbm:s4], $0x10, s31, s9, $0xb8;
	[tilespmem:$0x4A00] =	vst v63  }
0x6f: {  	_ =	swait.ge [sflag:s20], $0x800  }
0x70: {  	[sflag:s20] =	ssyncset.done $0x0  }
0x71: {  	s6 =	sadd.s32 $0x400, s0;
	[sflag:s20] =	ssyncadd.s32 $0xFFFFF800  }
0x72: {  	[hbm4b:s6+s1] =	stream.linear.scatter [tilespmem:s8], [sflag:$0x9], $0x800, $0x38;
	[tilespmem:$0x4A00] =	vst v63  }
0x73: {  	_ =	swait.ge [sflag:s21], $0x800  }
0x74: {  	[sflag:s21] =	ssyncset.done $0x0  }
0x75: {  	s8 =	rddreg [dreg:$0x15];
	[sflag:s21] =	ssyncadd.s32 $0xFFFFF800  }
0x76: {  	[tilespmem:s5], [sflag:$0x8] =	stream.indirect.gather.add.f32 [hbm:s4], $0x10, s8, s9, $0xb8;
	[tilespmem:$0x4A00] =	vst v63  }
0x77: {  	_ =	swait.ge [sflag:s23], $0x800  }
0x78: {  	[sflag:s23] =	ssyncset.done $0x0  }
0x79: {  	s12 =	sadd.s32 $0x500, s0;
	[sflag:s23] =	ssyncadd.s32 $0xFFFFF800  }
0x7a: {  	[hbm4b:s12+s1] =	stream.linear.scatter [tilespmem:s15], [sflag:$0xA], $0x800, $0x38;
	[tilespmem:$0x4A00] =	vst v63  }
0x7b: {  	_ =	swait.ge [sflag:s14], $0x800  }
0x7c: {  	[sflag:s14] =	ssyncset.done $0x0  }
0x7d: {  	s13 =	rddreg [dreg:$0x16];
	[sflag:s14] =	ssyncadd.s32 $0xFFFFF800  }
0x7e: {  	[tilespmem:s10], [sflag:$0x5] =	stream.indirect.gather.add.f32 [hbm:s4], $0x10, s13, s9, $0xb8;
	[tilespmem:$0x4A00] =	vst v63  }
0x7f: {  	_ =	swait.ge [sflag:s25], $0x800  }
0x80: {  	[sflag:s25] =	ssyncset.done $0x0  }
0x81: {  	s15 =	sadd.s32 $0x600, s0;
	[sflag:s25] =	ssyncadd.s32 $0xFFFFF800  }
0x82: {  	[hbm4b:s15+s1] =	stream.linear.scatter [tilespmem:s17], [sflag:$0xB], $0x800, $0x38;
	[tilespmem:$0x4A00] =	vst v63  }
0x83: {  	_ =	swait.ge [sflag:s16], $0x800  }
0x84: {  	[sflag:s16] =	ssyncset.done $0x0  }
0x85: {  	s19 =	rddreg [dreg:$0x17];
	[sflag:s16] =	ssyncadd.s32 $0xFFFFF800  }
0x86: {  	[tilespmem:s11], [sflag:$0x6] =	stream.indirect.gather.add.f32 [hbm:s4], $0x10, s19, s9, $0xb8;
	[tilespmem:$0x4A00] =	vst v63  }
0x87: {  	_ =	swait.ge [sflag:s28], $0x800  }
0x88: {  	[sflag:s28] =	ssyncset.done $0x0  }
0x89: {  	s22 =	sadd.s32 $0x700, s0;
	[sflag:s28] =	ssyncadd.s32 $0xFFFFF800  }
0x8a: {  	[hbm4b:s22+s1] =	stream.linear.scatter [tilespmem:s5], [sflag:$0xC], $0x800, $0x38;
	[tilespmem:$0x4A00] =	vst v63  }
0x8b: {  	_ =	swait.ge [sflag:s20], $0x800  }
0x8c: {  	[sflag:s20] =	ssyncset.done $0x0  }
0x8d: {  	s31 =	sadd.s32 $0x800, s0;
	[sflag:s20] =	ssyncadd.s32 $0xFFFFF800  }
0x8e: {  	[hbm4b:s31+s1] =	stream.linear.scatter [tilespmem:s10], [sflag:$0x9], $0x800, $0x38;
	[tilespmem:$0x4A00] =	vst v63  }
0x8f: {  	_ =	swait.ge [sflag:s23], $0x800  }
0x90: {  	[sflag:s23] =	ssyncset.done $0x0  }
0x91: {  	s0 =	sadd.s32 $0x900, s0;
	[sflag:s23] =	ssyncadd.s32 $0xFFFFF800  }
0x92: {  	[hbm4b:s0+s1] =	stream.linear.scatter [tilespmem:s11], [sflag:$0xA], $0x800, $0x38;
	[tilespmem:$0x4A00] =	vst v63  }
0x93: {  	_ =	swait.ge [sflag:s29], $0x800  }
0x94: {  	[sflag:s29] =	ssyncset.done $0x0  }
0x95: {  	[sflag:s29] =	ssyncadd.s32 $0xFFFFF800  }
0x96: {  	_ =	swait.ge [sflag:s30], $0x800  }
0x97: {  	[sflag:s30] =	ssyncset.done $0x0  }
0x98: {  	[sflag:s30] =	ssyncadd.s32 $0xFFFFF800  }
0x99: {  	_ =	swait.ge [sflag:s24], $0x800  }
0x9a: {  	[sflag:s24] =	ssyncset.done $0x0  }
0x9b: {  	[sflag:s24] =	ssyncadd.s32 $0xFFFFF800  }
0x9c: {  	_ =	swait.ge [sflag:s26], $0x800  }
0x9d: {  	[sflag:s26] =	ssyncset.done $0x0  }
0x9e: {  	[sflag:s26] =	ssyncadd.s32 $0xFFFFF800  }
0x9f: {  	_ =	swait.ge [sflag:s29], $0x800  }
0xa0: {  	[sflag:s29] =	ssyncset.done $0x0  }
0xa1: {  	[sflag:s29] =	ssyncadd.s32 $0xFFFFF800  }
0xa2: {  	_ =	swait.ge [sflag:s30], $0x800  }
0xa3: {  	[sflag:s30] =	ssyncset.done $0x0  }
0xa4: {  	[sflag:s30] =	ssyncadd.s32 $0xFFFFF800  }
0xa5: {  	_ =	swait.ge [sflag:s24], $0x800  }
0xa6: {  	[sflag:s24] =	ssyncset.done $0x0  }
0xa7: {  	[sflag:s24] =	ssyncadd.s32 $0xFFFFF800  }
0xa8: {  	s3 =	simm.s32 $0x40;
	_ =	swait.ge [sflag:s26], $0x800  }
0xa9: {  	s0 =	simm.s32 $0x20;
	s6 =	rddreg [dreg:$0x6];
	[sflag:s26] =	ssyncset.done $0x0  }
.LBB2_2:
0xaa: {  	s31 =	sadd.s32 s0, s6  }
0xab: {  	p1 =	slt.s32 s31, $0xF9  }
0xac: {  	s31 =	simm.s32 @!p1 $0xF9  }
0xad: {  	s8 =	smov.u32 s3;
	s13 =	smul.u32 $0xA0, s31  }
0xae: {  	s0 =	smov.u32 s8;
	s8 =	rddreg [dreg:$0x3]  }
0xaf: {  	[sflag:s26] =	ssyncadd.s32 $0xFFFFF800;
	s6 =	sadd.s32 s8, s13  }
0xb0: {  	[tilespmem:s1], [sflag:$0xD] =	stream.linear.gather [hbm4b:s6+s1], $0x500, $0x38;
	[tilespmem:$0x4A00] =	vst v63  }
0xb1: {  	_ =	swait.ge [sflag:s7], $0x500  }
0xb2: {  	s17 =	rddreg [dreg:$0x4];
	[sflag:s7] =	ssyncset.done $0x0  }
0xb3: {  	[sflag:s7] =	ssyncadd.s32 $0xFFFFFB00;
	s8 =	sadd.s32 s17, s13;
	s13 =	simm.s32 $0x500  }
0xb4: {  	[tilespmem:s13], [sflag:$0xD] =	stream.linear.gather [hbm4b:s8+s1], $0x500, $0x38;
	[tilespmem:$0x4A00] =	vst v63  }
0xb5: {  	s5 =	rddreg [dreg:$0x18];
	_ =	swait.ge [sflag:s7], $0x500  }
0xb6: {  	[sflag:s7] =	ssyncset.done $0x0  }
0xb7: {  	s12 =	smul.u32 $0x5000, s31;
	[sflag:s7] =	ssyncadd.s32 $0xFFFFFB00  }
0xb8: {  	[tilespmem:s10], [sflag:$0x1] =	stream.indirect.gather [hbm4b:s2+s9], $0x10, s1, s9, $0xb8;
	[tilespmem:$0x4A00] =	vst v63  }
0xb9: {  	s15 =	sshrl.u32 s12, $0x3  }
0xba: {  	[tilespmem:s11], [sflag:$0x2] =	stream.indirect.gather [hbm4b:s2+s9], $0x10, s9, s9, $0xb8;
	[tilespmem:$0x4A00] =	vst v63  }
0xbb: {  	s6 =	sadd.s32 s5, s15;
	s15 =	simm.s32 $0x1A00;
	s19 =	rddreg [dreg:$0x7]  }
0xbc: {  	[tilespmem:s15], [sflag:$0x3] =	stream.indirect.gather [hbm4b:s2+s9], $0x10, s19, s9, $0xb8;
	[tilespmem:$0x4A00] =	vst v63  }
0xbd: {  	s17 =	simm.s32 $0x2200;
	s22 =	rddreg [dreg:$0x8]  }
0xbe: {  	[tilespmem:s17], [sflag:$0x4] =	stream.indirect.gather [hbm4b:s2+s9], $0x10, s22, s9, $0xb8;
	[tilespmem:$0x4A00] =	vst v63  }
0xbf: {  	_ =	swait.ge [sflag:s14], $0x800  }
0xc0: {  	[sflag:s14] =	ssyncset.done $0x0  }
0xc1: {  	[sflag:s14] =	ssyncadd.s32 $0xFFFFF800  }
0xc2: {  	[tilespmem:s10], [sflag:$0x5] =	stream.indirect.gather.add.f32 [hbm:s4], $0x10, s13, s9, $0xb8;
	[tilespmem:$0x4A00] =	vst v63  }
0xc3: {  	s12 =	rddreg [dreg:$0x9];
	s13 =	simm.s32 $0x2A00  }
0xc4: {  	[tilespmem:s13], [sflag:$0x1] =	stream.indirect.gather [hbm4b:s2+s9], $0x10, s12, s9, $0xb8;
	[tilespmem:$0x4A00] =	vst v63  }
0xc5: {  	_ =	swait.ge [sflag:s16], $0x800  }
0xc6: {  	[sflag:s16] =	ssyncset.done $0x0  }
0xc7: {  	s19 =	rddreg [dreg:$0xa];
	[sflag:s16] =	ssyncadd.s32 $0xFFFFF800  }
0xc8: {  	[tilespmem:s11], [sflag:$0x6] =	stream.indirect.gather.add.f32 [hbm:s4], $0x10, s19, s9, $0xb8;
	[tilespmem:$0x4A00] =	vst v63  }
0xc9: {  	s22 =	rddreg [dreg:$0xb];
	s19 =	simm.s32 $0x3200  }
0xca: {  	[tilespmem:s19], [sflag:$0x2] =	stream.indirect.gather [hbm4b:s2+s9], $0x10, s22, s9, $0xb8;
	[tilespmem:$0x4A00] =	vst v63  }
0xcb: {  	_ =	swait.ge [sflag:s18], $0x800  }
0xcc: {  	[sflag:s18] =	ssyncset.done $0x0  }
0xcd: {  	s22 =	rddreg [dreg:$0xc];
	[sflag:s18] =	ssyncadd.s32 $0xFFFFF800  }
0xce: {  	[tilespmem:s15], [sflag:$0x7] =	stream.indirect.gather.add.f32 [hbm:s4], $0x10, s22, s9, $0xb8;
	[tilespmem:$0x4A00] =	vst v63  }
0xcf: {  	s12 =	rddreg [dreg:$0xd];
	s22 =	simm.s32 $0x3A00  }
0xd0: {  	[tilespmem:s22], [sflag:$0x3] =	stream.indirect.gather [hbm4b:s2+s9], $0x10, s12, s9, $0xb8;
	[tilespmem:$0x4A00] =	vst v63  }
0xd1: {  	s8 =	smul.u32 $0xA00, s31;
	_ =	swait.ge [sflag:s20], $0x800  }
0xd2: {  	[sflag:s20] =	ssyncset.done $0x0  }
0xd3: {  	s31 =	sadd.s32 s5, s8;
	[sflag:s20] =	ssyncadd.s32 $0xFFFFF800  }
0xd4: {  	[hbm4b:s31+s1] =	stream.linear.scatter [tilespmem:s10], [sflag:$0x9], $0x800, $0x38;
	[tilespmem:$0x4A00] =	vst v63  }
0xd5: {  	_ =	swait.ge [sflag:s21], $0x800  }
0xd6: {  	[sflag:s21] =	ssyncset.done $0x0  }
0xd7: {  	s5 =	rddreg [dreg:$0xe];
	[sflag:s21] =	ssyncadd.s32 $0xFFFFF800  }
0xd8: {  	[tilespmem:s17], [sflag:$0x8] =	stream.indirect.gather.add.f32 [hbm:s4], $0x10, s5, s9, $0xb8;
	[tilespmem:$0x4A00] =	vst v63  }
0xd9: {  	s31 =	rddreg [dreg:$0xf];
	s5 =	simm.s32 $0x4200  }
0xda: {  	[tilespmem:s5], [sflag:$0x4] =	stream.indirect.gather [hbm4b:s2+s9], $0x10, s31, s9, $0xb8;
	[tilespmem:$0x4A00] =	vst v63  }
0xdb: {  	_ =	swait.ge [sflag:s23], $0x800  }
0xdc: {  	s31 =	rddreg [dreg:$0x5];
	[sflag:s23] =	ssyncset.done $0x0  }
0xdd: {  	[sflag:s23] =	ssyncadd.s32 $0xFFFFF800;
	s8 =	sadd.s32 s8, s31  }
0xde: {  	[hbm4b:s8+s1] =	stream.linear.scatter [tilespmem:s11], [sflag:$0xA], $0x800, $0x38;
	[tilespmem:$0x4A00] =	vst v63  }
0xdf: {  	_ =	swait.ge [sflag:s14], $0x800  }
0xe0: {  	[sflag:s14] =	ssyncset.done $0x0  }
0xe1: {  	s12 =	rddreg [dreg:$0x10];
	[sflag:s14] =	ssyncadd.s32 $0xFFFFF800  }
0xe2: {  	[tilespmem:s13], [sflag:$0x5] =	stream.indirect.gather.add.f32 [hbm:s4], $0x10, s12, s9, $0xb8;
	[tilespmem:$0x4A00] =	vst v63  }
0xe3: {  	_ =	swait.ge [sflag:s24], $0x800  }
0xe4: {  	[sflag:s24] =	ssyncset.done $0x0  }
0xe5: {  	s31 =	rddreg [dreg:$0x11];
	[sflag:s24] =	ssyncadd.s32 $0xFFFFF800  }
0xe6: {  	[tilespmem:s10], [sflag:$0x1] =	stream.indirect.gather [hbm4b:s2+s9], $0x10, s31, s9, $0xb8;
	[tilespmem:$0x4A00] =	vst v63  }
0xe7: {  	_ =	swait.ge [sflag:s25], $0x800  }
0xe8: {  	[sflag:s25] =	ssyncset.done $0x0  }
0xe9: {  	s12 =	sadd.s32 $0x200, s6;
	[sflag:s25] =	ssyncadd.s32 $0xFFFFF800  }
0xea: {  	[hbm4b:s12+s1] =	stream.linear.scatter [tilespmem:s15], [sflag:$0xB], $0x800, $0x38;
	[tilespmem:$0x4A00] =	vst v63  }
0xeb: {  	_ =	swait.ge [sflag:s16], $0x800  }
0xec: {  	[sflag:s16] =	ssyncset.done $0x0  }
0xed: {  	s31 =	rddreg [dreg:$0x12];
	[sflag:s16] =	ssyncadd.s32 $0xFFFFF800  }
0xee: {  	[tilespmem:s19], [sflag:$0x6] =	stream.indirect.gather.add.f32 [hbm:s4], $0x10, s31, s9, $0xb8;
	[tilespmem:$0x4A00] =	vst v63  }
0xef: {  	_ =	swait.ge [sflag:s26], $0x800  }
0xf0: {  	[sflag:s26] =	ssyncset.done $0x0  }
0xf1: {  	s12 =	rddreg [dreg:$0x13];
	[sflag:s26] =	ssyncadd.s32 $0xFFFFF800  }
0xf2: {  	[tilespmem:s11], [sflag:$0x2] =	stream.indirect.gather [hbm4b:s2+s9], $0x10, s12, s9, $0xb8;
	[tilespmem:$0x4A00] =	vst v63  }
0xf3: {  	_ =	swait.ge [sflag:s28], $0x800  }
0xf4: {  	[sflag:s28] =	ssyncset.done $0x0  }
0xf5: {  	s15 =	sadd.s32 $0x300, s6;
	[sflag:s28] =	ssyncadd.s32 $0xFFFFF800  }
0xf6: {  	[hbm4b:s15+s1] =	stream.linear.scatter [tilespmem:s17], [sflag:$0xC], $0x800, $0x38;
	[tilespmem:$0x4A00] =	vst v63  }
0xf7: {  	_ =	swait.ge [sflag:s18], $0x800  }
0xf8: {  	[sflag:s18] =	ssyncset.done $0x0  }
0xf9: {  	s17 =	rddreg [dreg:$0x14];
	[sflag:s18] =	ssyncadd.s32 $0xFFFFF800  }
0xfa: {  	[tilespmem:s22], [sflag:$0x7] =	stream.indirect.gather.add.f32 [hbm:s4], $0x10, s17, s9, $0xb8;
	[tilespmem:$0x4A00] =	vst v63  }
0xfb: {  	_ =	swait.ge [sflag:s20], $0x800  }
0xfc: {  	[sflag:s20] =	ssyncset.done $0x0  }
0xfd: {  	s31 =	sadd.s32 $0x400, s6;
	[sflag:s20] =	ssyncadd.s32 $0xFFFFF800  }
0xfe: {  	[hbm4b:s31+s1] =	stream.linear.scatter [tilespmem:s13], [sflag:$0x9], $0x800, $0x38;
	[tilespmem:$0x4A00] =	vst v63  }
0xff: {  	_ =	swait.ge [sflag:s21], $0x800  }
0x100: {  	[sflag:s21] =	ssyncset.done $0x0  }
0x101: {  	s12 =	rddreg [dreg:$0x15];
	[sflag:s21] =	ssyncadd.s32 $0xFFFFF800  }
0x102: {  	[tilespmem:s5], [sflag:$0x8] =	stream.indirect.gather.add.f32 [hbm:s4], $0x10, s12, s9, $0xb8;
	[tilespmem:$0x4A00] =	vst v63  }
0x103: {  	_ =	swait.ge [sflag:s23], $0x800  }
0x104: {  	[sflag:s23] =	ssyncset.done $0x0  }
0x105: {  	s13 =	sadd.s32 $0x500, s6;
	[sflag:s23] =	ssyncadd.s32 $0xFFFFF800  }
0x106: {  	[hbm4b:s13+s1] =	stream.linear.scatter [tilespmem:s19], [sflag:$0xA], $0x800, $0x38;
	[tilespmem:$0x4A00] =	vst v63  }
0x107: {  	_ =	swait.ge [sflag:s14], $0x800  }
0x108: {  	[sflag:s14] =	ssyncset.done $0x0  }
0x109: {  	s15 =	rddreg [dreg:$0x16];
	[sflag:s14] =	ssyncadd.s32 $0xFFFFF800  }
0x10a: {  	[tilespmem:s10], [sflag:$0x5] =	stream.indirect.gather.add.f32 [hbm:s4], $0x10, s15, s9, $0xb8;
	[tilespmem:$0x4A00] =	vst v63  }
0x10b: {  	_ =	swait.ge [sflag:s25], $0x800  }
0x10c: {  	[sflag:s25] =	ssyncset.done $0x0  }
0x10d: {  	s17 =	sadd.s32 $0x600, s6;
	[sflag:s25] =	ssyncadd.s32 $0xFFFFF800  }
0x10e: {  	[hbm4b:s17+s1] =	stream.linear.scatter [tilespmem:s22], [sflag:$0xB], $0x800, $0x38;
	[tilespmem:$0x4A00] =	vst v63  }
0x10f: {  	_ =	swait.ge [sflag:s16], $0x800  }
0x110: {  	[sflag:s16] =	ssyncset.done $0x0  }
0x111: {  	s19 =	rddreg [dreg:$0x17];
	[sflag:s16] =	ssyncadd.s32 $0xFFFFF800  }
0x112: {  	[tilespmem:s11], [sflag:$0x6] =	stream.indirect.gather.add.f32 [hbm:s4], $0x10, s19, s9, $0xb8;
	[tilespmem:$0x4A00] =	vst v63  }
0x113: {  	_ =	swait.ge [sflag:s28], $0x800  }
0x114: {  	[sflag:s28] =	ssyncset.done $0x0  }
0x115: {  	s22 =	sadd.s32 $0x700, s6;
	[sflag:s28] =	ssyncadd.s32 $0xFFFFF800  }
0x116: {  	[hbm4b:s22+s1] =	stream.linear.scatter [tilespmem:s5], [sflag:$0xC], $0x800, $0x38;
	[tilespmem:$0x4A00] =	vst v63  }
0x117: {  	_ =	swait.ge [sflag:s20], $0x800  }
0x118: {  	[sflag:s20] =	ssyncset.done $0x0  }
0x119: {  	s31 =	sadd.s32 $0x800, s6;
	[sflag:s20] =	ssyncadd.s32 $0xFFFFF800  }
0x11a: {  	[hbm4b:s31+s1] =	stream.linear.scatter [tilespmem:s10], [sflag:$0x9], $0x800, $0x38;
	[tilespmem:$0x4A00] =	vst v63  }
0x11b: {  	_ =	swait.ge [sflag:s23], $0x800  }
0x11c: {  	[sflag:s23] =	ssyncset.done $0x0  }
0x11d: {  	s6 =	sadd.s32 $0x900, s6;
	[sflag:s23] =	ssyncadd.s32 $0xFFFFF800  }
0x11e: {  	[hbm4b:s6+s1] =	stream.linear.scatter [tilespmem:s11], [sflag:$0xA], $0x800, $0x38;
	[tilespmem:$0x4A00] =	vst v63  }
0x11f: {  	_ =	swait.ge [sflag:s29], $0x800  }
0x120: {  	[sflag:s29] =	ssyncset.done $0x0  }
0x121: {  	[sflag:s29] =	ssyncadd.s32 $0xFFFFF800  }
0x122: {  	_ =	swait.ge [sflag:s30], $0x800  }
0x123: {  	[sflag:s30] =	ssyncset.done $0x0  }
0x124: {  	[sflag:s30] =	ssyncadd.s32 $0xFFFFF800  }
0x125: {  	_ =	swait.ge [sflag:s24], $0x800  }
0x126: {  	[sflag:s24] =	ssyncset.done $0x0  }
0x127: {  	[sflag:s24] =	ssyncadd.s32 $0xFFFFF800  }
0x128: {  	_ =	swait.ge [sflag:s26], $0x800  }
0x129: {  	[sflag:s26] =	ssyncset.done $0x0  }
0x12a: {  	[sflag:s26] =	ssyncadd.s32 $0xFFFFF800  }
0x12b: {  	_ =	swait.ge [sflag:s29], $0x800  }
0x12c: {  	[sflag:s29] =	ssyncset.done $0x0  }
0x12d: {  	[sflag:s29] =	ssyncadd.s32 $0xFFFFF800  }
0x12e: {  	_ =	swait.ge [sflag:s30], $0x800  }
0x12f: {  	[sflag:s30] =	ssyncset.done $0x0  }
0x130: {  	p0 =	sne.s32 s3, $0xE0;
	[sflag:s30] =	ssyncadd.s32 $0xFFFFF800  }
.Ltmp0:
0x131: {  	_ =	swait.ge [sflag:s24], $0x800;
	(pc) =	sbr.rel @p0 .LBB2_2-.Ltmp0, $4  }
0x132: {  	[sflag:s24] =	ssyncset.done $0x0  }
0x133: {  	[sflag:s24] =	ssyncadd.s32 $0xFFFFF800  }
0x134: {  	_ =	swait.ge [sflag:s26], $0x800  }
0x135: {  	s3 =	sadd.s32 $0x20, s3;
	s6 =	rddreg [dreg:$0x6];
	[sflag:s26] =	ssyncset.done $0x0  }
0x136: {  	s0 =	sadd.s32 s0, s6  }
0x137: {  	p0 =	slt.s32 s0, $0xF9  }
0x138: {  	s0 =	simm.s32 @!p0 $0xF9  }
0x139: {  	s19 =	smul.u32 $0xA0, s0  }
0x13a: {  	s3 =	rddreg [dreg:$0x3]  }
0x13b: {  	[sflag:s26] =	ssyncadd.s32 $0xFFFFF800;
	s3 =	sadd.s32 s3, s19  }
0x13c: {  	[tilespmem:s1], [sflag:$0xD] =	stream.linear.gather [hbm4b:s3+s1], $0x500, $0x38;
	[tilespmem:$0x4A00] =	vst v63  }
0x13d: {  	_ =	swait.ge [sflag:s7], $0x500  }
0x13e: {  	s22 =	rddreg [dreg:$0x4];
	[sflag:s7] =	ssyncset.done $0x0  }
0x13f: {  	s8 =	simm.s32 $0x500;
	[sflag:s7] =	ssyncadd.s32 $0xFFFFFB00;
	s3 =	sadd.s32 s22, s19  }
0x140: {  	[tilespmem:s8], [sflag:$0xD] =	stream.linear.gather [hbm4b:s3+s1], $0x500, $0x38;
	[tilespmem:$0x4A00] =	vst v63  }
0x141: {  	_ =	swait.ge [sflag:s7], $0x500  }
0x142: {  	[sflag:s7] =	ssyncset.done $0x0  }
0x143: {  	[sflag:s7] =	ssyncadd.s32 $0xFFFFFB00  }
0x144: {  	[tilespmem:s10], [sflag:$0x1] =	stream.indirect.gather [hbm4b:s2+s9], $0x10, s1, s9, $0xb8;
	[tilespmem:$0x4A00] =	vst v63  }
0x145: {  	_ = 	snop  }
0x146: {  	[tilespmem:s11], [sflag:$0x2] =	stream.indirect.gather [hbm4b:s2+s9], $0x10, s9, s9, $0xb8;
	[tilespmem:$0x4A00] =	vst v63  }
0x147: {  	s12 =	simm.s32 $0x1A00;
	s31 =	rddreg [dreg:$0x7]  }
0x148: {  	[tilespmem:s12], [sflag:$0x3] =	stream.indirect.gather [hbm4b:s2+s9], $0x10, s31, s9, $0xb8;
	[tilespmem:$0x4A00] =	vst v63  }
0x149: {  	s13 =	simm.s32 $0x2200;
	s5 =	rddreg [dreg:$0x8]  }
0x14a: {  	[tilespmem:s13], [sflag:$0x4] =	stream.indirect.gather [hbm4b:s2+s9], $0x10, s5, s9, $0xb8;
	[tilespmem:$0x4A00] =	vst v63  }
0x14b: {  	_ =	swait.ge [sflag:s14], $0x800  }
0x14c: {  	[sflag:s14] =	ssyncset.done $0x0  }
0x14d: {  	[sflag:s14] =	ssyncadd.s32 $0xFFFFF800  }
0x14e: {  	[tilespmem:s10], [sflag:$0x5] =	stream.indirect.gather.add.f32 [hbm:s4], $0x10, s8, s9, $0xb8;
	[tilespmem:$0x4A00] =	vst v63  }
0x14f: {  	s15 =	simm.s32 $0x2A00;
	s6 =	rddreg [dreg:$0x9]  }
0x150: {  	[tilespmem:s15], [sflag:$0x1] =	stream.indirect.gather [hbm4b:s2+s9], $0x10, s6, s9, $0xb8;
	[tilespmem:$0x4A00] =	vst v63  }
0x151: {  	_ =	swait.ge [sflag:s16], $0x800  }
0x152: {  	[sflag:s16] =	ssyncset.done $0x0  }
0x153: {  	s17 =	rddreg [dreg:$0xa];
	[sflag:s16] =	ssyncadd.s32 $0xFFFFF800  }
0x154: {  	[tilespmem:s11], [sflag:$0x6] =	stream.indirect.gather.add.f32 [hbm:s4], $0x10, s17, s9, $0xb8;
	[tilespmem:$0x4A00] =	vst v63  }
0x155: {  	s19 =	rddreg [dreg:$0xb];
	s17 =	simm.s32 $0x3200  }
0x156: {  	[tilespmem:s17], [sflag:$0x2] =	stream.indirect.gather [hbm4b:s2+s9], $0x10, s19, s9, $0xb8;
	[tilespmem:$0x4A00] =	vst v63  }
0x157: {  	_ =	swait.ge [sflag:s18], $0x800  }
0x158: {  	[sflag:s18] =	ssyncset.done $0x0  }
0x159: {  	s22 =	rddreg [dreg:$0xc];
	[sflag:s18] =	ssyncadd.s32 $0xFFFFF800  }
0x15a: {  	[tilespmem:s12], [sflag:$0x7] =	stream.indirect.gather.add.f32 [hbm:s4], $0x10, s22, s9, $0xb8;
	[tilespmem:$0x4A00] =	vst v63  }
0x15b: {  	s19 =	simm.s32 $0x3A00;
	s31 =	rddreg [dreg:$0xd]  }
0x15c: {  	[tilespmem:s19], [sflag:$0x3] =	stream.indirect.gather [hbm4b:s2+s9], $0x10, s31, s9, $0xb8;
	[tilespmem:$0x4A00] =	vst v63  }
0x15d: {  	s3 =	smul.u32 $0xA00, s0;
	_ =	swait.ge [sflag:s20], $0x800  }
0x15e: {  	[sflag:s20] =	ssyncset.done $0x0;
	s22 =	rddreg [dreg:$0x18]  }
0x15f: {  	[sflag:s20] =	ssyncadd.s32 $0xFFFFF800;
	s5 =	sadd.s32 s22, s3  }
0x160: {  	[hbm4b:s5+s1] =	stream.linear.scatter [tilespmem:s10], [sflag:$0x9], $0x800, $0x38;
	[tilespmem:$0x4A00] =	vst v63  }
0x161: {  	_ =	swait.ge [sflag:s21], $0x800  }
0x162: {  	[sflag:s21] =	ssyncset.done $0x0  }
0x163: {  	s8 =	rddreg [dreg:$0xe];
	[sflag:s21] =	ssyncadd.s32 $0xFFFFF800  }
0x164: {  	[tilespmem:s13], [sflag:$0x8] =	stream.indirect.gather.add.f32 [hbm:s4], $0x10, s8, s9, $0xb8;
	[tilespmem:$0x4A00] =	vst v63  }
0x165: {  	s5 =	simm.s32 $0x4200;
	s31 =	rddreg [dreg:$0xf]  }
0x166: {  	[tilespmem:s5], [sflag:$0x4] =	stream.indirect.gather [hbm4b:s2+s9], $0x10, s31, s9, $0xb8;
	[tilespmem:$0x4A00] =	vst v63  }
0x167: {  	_ =	swait.ge [sflag:s23], $0x800  }
0x168: {  	s31 =	rddreg [dreg:$0x5];
	[sflag:s23] =	ssyncset.done $0x0  }
0x169: {  	s3 =	sadd.s32 s3, s31;
	[sflag:s23] =	ssyncadd.s32 $0xFFFFF800  }
0x16a: {  	[hbm4b:s3+s1] =	stream.linear.scatter [tilespmem:s11], [sflag:$0xA], $0x800, $0x38;
	[tilespmem:$0x4A00] =	vst v63  }
0x16b: {  	_ =	swait.ge [sflag:s14], $0x800  }
0x16c: {  	[sflag:s14] =	ssyncset.done $0x0  }
0x16d: {  	s6 =	rddreg [dreg:$0x10];
	[sflag:s14] =	ssyncadd.s32 $0xFFFFF800  }
0x16e: {  	[tilespmem:s15], [sflag:$0x5] =	stream.indirect.gather.add.f32 [hbm:s4], $0x10, s6, s9, $0xb8;
	[tilespmem:$0x4A00] =	vst v63  }
0x16f: {  	_ =	swait.ge [sflag:s24], $0x800  }
0x170: {  	[sflag:s24] =	ssyncset.done $0x0  }
0x171: {  	s0 =	smul.u32 $0x5000, s0;
	s8 =	rddreg [dreg:$0x11];
	[sflag:s24] =	ssyncadd.s32 $0xFFFFF800  }
0x172: {  	[tilespmem:s10], [sflag:$0x1] =	stream.indirect.gather [hbm4b:s2+s9], $0x10, s8, s9, $0xb8;
	[tilespmem:$0x4A00] =	vst v63  }
0x173: {  	s0 =	sshrl.u32 s0, $0x3;
	_ =	swait.ge [sflag:s25], $0x800  }
0x174: {  	s0 =	sadd.s32 s22, s0;
	[sflag:s25] =	ssyncset.done $0x0  }
0x175: {  	s31 =	sadd.s32 $0x200, s0;
	[sflag:s25] =	ssyncadd.s32 $0xFFFFF800  }
0x176: {  	[hbm4b:s31+s1] =	stream.linear.scatter [tilespmem:s12], [sflag:$0xB], $0x800, $0x38;
	[tilespmem:$0x4A00] =	vst v63  }
0x177: {  	_ =	swait.ge [sflag:s16], $0x800  }
0x178: {  	[sflag:s16] =	ssyncset.done $0x0  }
0x179: {  	s6 =	rddreg [dreg:$0x12];
	[sflag:s16] =	ssyncadd.s32 $0xFFFFF800  }
0x17a: {  	[tilespmem:s17], [sflag:$0x6] =	stream.indirect.gather.add.f32 [hbm:s4], $0x10, s6, s9, $0xb8;
	[tilespmem:$0x4A00] =	vst v63  }
0x17b: {  	_ =	swait.ge [sflag:s26], $0x800  }
0x17c: {  	[sflag:s26] =	ssyncset.done $0x0  }
0x17d: {  	s8 =	rddreg [dreg:$0x13];
	[sflag:s26] =	ssyncadd.s32 $0xFFFFF800  }
0x17e: {  	[tilespmem:s11], [sflag:$0x2] =	stream.indirect.gather [hbm4b:s2+s9], $0x10, s8, s9, $0xb8;
	[tilespmem:$0x4A00] =	vst v63  }
0x17f: {  	_ =	swait.ge [sflag:s28], $0x800  }
0x180: {  	[sflag:s28] =	ssyncset.done $0x0  }
0x181: {  	s12 =	sadd.s32 $0x300, s0;
	[sflag:s28] =	ssyncadd.s32 $0xFFFFF800  }
0x182: {  	[hbm4b:s12+s1] =	stream.linear.scatter [tilespmem:s13], [sflag:$0xC], $0x800, $0x38;
	[tilespmem:$0x4A00] =	vst v63  }
0x183: {  	_ =	swait.ge [sflag:s18], $0x800  }
0x184: {  	[sflag:s18] =	ssyncset.done $0x0  }
0x185: {  	s22 =	rddreg [dreg:$0x14];
	[sflag:s18] =	ssyncadd.s32 $0xFFFFF800  }
0x186: {  	[tilespmem:s19], [sflag:$0x7] =	stream.indirect.gather.add.f32 [hbm:s4], $0x10, s22, s9, $0xb8;
	[tilespmem:$0x4A00] =	vst v63  }
0x187: {  	_ =	swait.ge [sflag:s20], $0x800  }
0x188: {  	[sflag:s20] =	ssyncset.done $0x0  }
0x189: {  	s31 =	sadd.s32 $0x400, s0;
	[sflag:s20] =	ssyncadd.s32 $0xFFFFF800  }
0x18a: {  	[hbm4b:s31+s1] =	stream.linear.scatter [tilespmem:s15], [sflag:$0x9], $0x800, $0x38;
	[tilespmem:$0x4A00] =	vst v63  }
0x18b: {  	_ =	swait.ge [sflag:s21], $0x800  }
0x18c: {  	[sflag:s21] =	ssyncset.done $0x0  }
0x18d: {  	s6 =	rddreg [dreg:$0x15];
	[sflag:s21] =	ssyncadd.s32 $0xFFFFF800  }
0x18e: {  	[tilespmem:s5], [sflag:$0x8] =	stream.indirect.gather.add.f32 [hbm:s4], $0x10, s6, s9, $0xb8;
	[tilespmem:$0x4A00] =	vst v63  }
0x18f: {  	_ =	swait.ge [sflag:s23], $0x800  }
0x190: {  	[sflag:s23] =	ssyncset.done $0x0  }
0x191: {  	s8 =	sadd.s32 $0x500, s0;
	[sflag:s23] =	ssyncadd.s32 $0xFFFFF800  }
0x192: {  	[hbm4b:s8+s1] =	stream.linear.scatter [tilespmem:s17], [sflag:$0xA], $0x800, $0x38;
	[tilespmem:$0x4A00] =	vst v63  }
0x193: {  	_ =	swait.ge [sflag:s14], $0x800  }
0x194: {  	[sflag:s14] =	ssyncset.done $0x0  }
0x195: {  	s12 =	rddreg [dreg:$0x16];
	[sflag:s14] =	ssyncadd.s32 $0xFFFFF800  }
0x196: {  	[tilespmem:s10], [sflag:$0x5] =	stream.indirect.gather.add.f32 [hbm:s4], $0x10, s12, s9, $0xb8;
	[tilespmem:$0x4A00] =	vst v63  }
0x197: {  	_ =	swait.ge [sflag:s25], $0x800  }
0x198: {  	[sflag:s25] =	ssyncset.done $0x0  }
0x199: {  	s13 =	sadd.s32 $0x600, s0;
	[sflag:s25] =	ssyncadd.s32 $0xFFFFF800  }
0x19a: {  	[hbm4b:s13+s1] =	stream.linear.scatter [tilespmem:s19], [sflag:$0xB], $0x800, $0x38;
	[tilespmem:$0x4A00] =	vst v63  }
0x19b: {  	_ =	swait.ge [sflag:s16], $0x800  }
0x19c: {  	[sflag:s16] =	ssyncset.done $0x0  }
0x19d: {  	s15 =	rddreg [dreg:$0x17];
	[sflag:s16] =	ssyncadd.s32 $0xFFFFF800  }
0x19e: {  	[tilespmem:s11], [sflag:$0x6] =	stream.indirect.gather.add.f32 [hbm:s4], $0x10, s15, s9, $0xb8;
	[tilespmem:$0x4A00] =	vst v63  }
0x19f: {  	_ =	swait.ge [sflag:s28], $0x800  }
0x1a0: {  	[sflag:s28] =	ssyncset.done $0x0  }
0x1a1: {  	s17 =	sadd.s32 $0x700, s0;
	[sflag:s28] =	ssyncadd.s32 $0xFFFFF800  }
0x1a2: {  	[hbm4b:s17+s1] =	stream.linear.scatter [tilespmem:s5], [sflag:$0xC], $0x800, $0x38;
	[tilespmem:$0x4A00] =	vst v63  }
0x1a3: {  	_ =	swait.ge [sflag:s20], $0x800  }
0x1a4: {  	[sflag:s20] =	ssyncset.done $0x0  }
0x1a5: {  	s19 =	sadd.s32 $0x800, s0;
	[sflag:s20] =	ssyncadd.s32 $0xFFFFF800  }
0x1a6: {  	[hbm4b:s19+s1] =	stream.linear.scatter [tilespmem:s10], [sflag:$0x9], $0x800, $0x38;
	[tilespmem:$0x4A00] =	vst v63  }
0x1a7: {  	_ =	swait.ge [sflag:s23], $0x800  }
0x1a8: {  	[sflag:s23] =	ssyncset.done $0x0  }
0x1a9: {  	s0 =	sadd.s32 $0x900, s0;
	[sflag:s23] =	ssyncadd.s32 $0xFFFFF800  }
0x1aa: {  	[hbm4b:s0+s1] =	stream.linear.scatter [tilespmem:s11], [sflag:$0xA], $0x800, $0x38;
	[tilespmem:$0x4A00] =	vst v63  }
0x1ab: {  	_ =	swait.ge [sflag:s29], $0x800  }
0x1ac: {  	[sflag:s29] =	ssyncset.done $0x0  }
0x1ad: {  	[sflag:s29] =	ssyncadd.s32 $0xFFFFF800  }
0x1ae: {  	_ =	swait.ge [sflag:s30], $0x800  }
0x1af: {  	[sflag:s30] =	ssyncset.done $0x0  }
0x1b0: {  	[sflag:s30] =	ssyncadd.s32 $0xFFFFF800  }
0x1b1: {  	_ =	swait.ge [sflag:s24], $0x800  }
0x1b2: {  	[sflag:s24] =	ssyncset.done $0x0  }
0x1b3: {  	[sflag:s24] =	ssyncadd.s32 $0xFFFFF800  }
0x1b4: {  	_ =	swait.ge [sflag:s26], $0x800  }
0x1b5: {  	[sflag:s26] =	ssyncset.done $0x0  }
0x1b6: {  	[sflag:s26] =	ssyncadd.s32 $0xFFFFF800  }
0x1b7: {  	_ =	swait.ge [sflag:s29], $0x800  }
0x1b8: {  	[sflag:s29] =	ssyncset.done $0x0  }
0x1b9: {  	[sflag:s29] =	ssyncadd.s32 $0xFFFFF800  }
0x1ba: {  	_ =	swait.ge [sflag:s30], $0x800  }
0x1bb: {  	[sflag:s30] =	ssyncset.done $0x0  }
0x1bc: {  	[sflag:s30] =	ssyncadd.s32 $0xFFFFF800  }
0x1bd: {  	_ =	swait.ge [sflag:s24], $0x800  }
0x1be: {  	[sflag:s24] =	ssyncset.done $0x0  }
0x1bf: {  	[sflag:s24] =	ssyncadd.s32 $0xFFFFF800  }
0x1c0: {  	_ =	swait.ge [sflag:s26], $0x800  }
0x1c1: {  	s22 =	rddreg [dreg:$0x1a]  }
0x1c2: {  	s31 =	rddreg [dreg:$0x19];
	s3 =	sadd.s32 $0x1, s22  }
0x1c3: {  	p0 =	sne.s32 s3, s31  }
.Ltmp1:
0x1c4: {  	_ = 	snop;
	(pc) =	sbr.rel @p0 .LBB2_1-.Ltmp1, $3  }
0x1c5: {  	_ =	sdelay $0x1  }
0x1c6: {  	[sflag:s26] =	ssyncset.done $0x0  }
0x1c7: {  	[sflag:s26] =	ssyncadd.s32 $0xFFFFF800  }
0x1c8: {  	_ =	sfence.sel $0x180000  }
0x1c9: {  	[bflag:$0x0] =	sbarrier.arrive $0xFFFF  }
0x1ca: {  	_ =	strace $0x90000047  }
0x1cb: {  	s0 =	stileid.u32;
	[bflag:$0x2] =	sbarrier.arrive $0xFFFF  }
0x1cc: {  	p0 =	sne.s32 s0, $0x0;
	s0 =	rddreg [dreg:$0x2]  }
0x1cd: {  	s0 =	sadd.s32 @!p0 $0x100000, s0  }
0x1ce: {  	[sflag:s0] =	ssyncadd.tile.s32 @!p0 $0x1;
	_ =	shalt  }
.Lfunc_end2:
_tile_overlayer_lowered:
.L_overlay_start_2:
0x1cf: {  	(tag) =	ssettag $0x2  }
0x1d0: {  	s0 =	rddreg [dreg:$0x0];
	s2 =	stileid.u32  }
0x1d1: {  	s1 =	rddreg [dreg:$0x1];
	p0 =	sne.s32 s2, $0x0  }
0x1d2: {  	s3 =	rddreg [dreg:$0x2];
	[bflag:$0x3] =	sbarrier.arrive $0xFFFF;
	s2 =	simm.s32 @!p0 $0x1C0D  }
0x1d3: {  	[timem:s3], [sflag:s2] =	dma.local @!p0 [hbm:s0], s1  }
0x1d4: {  	s0 =	simm.s32 @!p0 $0xD  }
0x1d5: {  	_ =	swait.ge @!p0 [sflag:s0], s1  }
0x1d6: {  	s1 =	ssub.s32 @!p0 $0x0, s1;
	[sflag:s0] =	ssyncset.done @!p0 $0x0  }
0x1d7: {  	[sflag:s0] =	ssyncadd.s32 @!p0 s1  }
0x1d8: {  	[bflag:$0x3] =	sbarrier.arrive $0xFFFF  }
0x1d9: {  	_ =	shalt  }

</sc_bundles>
